<compile_context>
chip_gen: v7x
topology: tpu7x:2x2x1
jax: 0.10.2.dev20260603
libtpu: 0.0.44.dev20260713+nightly
codegen_flags: <defaults>
</compile_context>

<pallas_src>
import functools

import jax
import jax.numpy as jnp
from jax import lax
from jax.experimental import pallas as pl
from jax.experimental.pallas import tpu as pltpu
from jax.experimental.pallas import tpu_sc as plsc

_C = 64
_THIRD = 0.3333333432674408


@functools.lru_cache(maxsize=None)
def _gather_mean_kernel(n_rows: int, d: int, n_pad: int):
    info = plsc.get_sparse_core_info()
    nc, ns = info.num_cores, info.num_subcores
    nw = nc * ns
    per_w = n_pad // nw
    n_chunks = per_w // _C
    assert n_chunks % 2 == 0

    mesh = plsc.VectorSubcoreMesh(core_axis_name="c", subcore_axis_name="s")

    @functools.partial(
        pl.kernel,
        mesh=mesh,
        out_type=jax.ShapeDtypeStruct((n_pad, d), jnp.float32),
        scratch_types=[
            pltpu.VMEM((2, _C), jnp.int32),
            pltpu.VMEM((2, _C), jnp.int32),
            pltpu.VMEM((2, _C), jnp.int32),
            pltpu.VMEM((2, _C, d), jnp.float32),
            pltpu.VMEM((2, _C, d), jnp.float32),
            pltpu.VMEM((2, _C, d), jnp.float32),
            pltpu.VMEM((2, _C, d), jnp.float32),
            pltpu.SemaphoreType.DMA,
            pltpu.SemaphoreType.DMA,
            pltpu.SemaphoreType.DMA,
            pltpu.SemaphoreType.DMA,
        ],
    )
    def body(xf_hbm, i0_hbm, i1_hbm, i2_hbm, out_hbm,
             i0v, i1v, i2v, b0, b1, b2, ov, gsem0, gsem1, ssem0, ssem1):
        wid = lax.axis_index("s") * nc + lax.axis_index("c")
        first_chunk = wid * n_chunks
        gsems = (gsem0, gsem1)
        ssems = (ssem0, ssem1)

        def stage(k, s):
            crow = first_chunk + k
            pltpu.sync_copy(i0_hbm.at[crow], i0v.at[s])
            pltpu.sync_copy(i1_hbm.at[crow], i1v.at[s])
            pltpu.sync_copy(i2_hbm.at[crow], i2v.at[s])
            pltpu.async_copy(xf_hbm.at[i0v.at[s]], b0.at[s], gsems[s])
            pltpu.async_copy(xf_hbm.at[i1v.at[s]], b1.at[s], gsems[s])
            pltpu.async_copy(xf_hbm.at[i2v.at[s]], b2.at[s], gsems[s])

        def drain_gathers(s):
            for buf in (b0, b1, b2):
                pltpu.make_async_copy(
                    xf_hbm.at[i0v.at[s]], buf.at[s], gsems[s]
                ).wait()

        def drain_store(s):
            pltpu.make_async_copy(
                ov.at[s], out_hbm.at[pl.ds(0, _C)], ssems[s]
            ).wait()

        stage(0, 0)

        def outer(k2, carry):
            for s in range(2):
                k = k2 * 2 + s
                nxt = 1 - s

                @pl.when(k + 1 < n_chunks)
                def _():
                    stage(k + 1, nxt)

                drain_gathers(s)

                def row(r, _):
                    for dd in range(d // 16):
                        sl = pl.ds(dd * 16, 16)
                        ov[s, r, sl] = (
                            b0[s, r, sl] + b1[s, r, sl] + b2[s, r, sl]
                        ) * _THIRD
                    return 0

                lax.fori_loop(0, _C, row, 0)

                @pl.when(k >= 2)
                def _():
                    drain_store(s)

                start = (first_chunk + k) * _C
                pltpu.async_copy(
                    ov.at[s], out_hbm.at[pl.ds(start, _C)], ssems[s]
                )
            return carry

        lax.fori_loop(0, n_chunks // 2, outer, 0)
        drain_store(0)
        drain_store(1)

    return body


def kernel(x, mask, face):
    B, V, D = x.shape
    F = face.shape[1]

    pf = jnp.where(mask[:, :, None] == 1, face, 0)
    idx = pf + (jnp.arange(B, dtype=pf.dtype) * V)[:, None, None]
    idx_flat = idx.reshape(B * F, 3)

    tile_quant = 32 * 2 * _C
    n_pad = ((B * F + tile_quant - 1) // tile_quant) * tile_quant
    pad = n_pad - B * F
    idx_pad = jnp.pad(idx_flat, ((0, pad), (0, 0))).T
    i0 = idx_pad[0].reshape(n_pad // _C, _C)
    i1 = idx_pad[1].reshape(n_pad // _C, _C)
    i2 = idx_pad[2].reshape(n_pad // _C, _C)

    body = _gather_mean_kernel(B * V, D, n_pad)
    out_flat = body(x.reshape(B * V, D), i0, i1, i2)
    add_feat = out_flat[: B * F].reshape(B, F, D)

    new_verts = jnp.concatenate([x, add_feat], axis=1)

    n0 = jnp.broadcast_to(
        (jnp.arange(F, dtype=pf.dtype) + V)[None, :], (B, F)
    )
    v0, v1, v2 = pf[..., 0], pf[..., 1], pf[..., 2]
    nf0 = jnp.stack([n0, v0, v1], axis=2)
    nf1 = jnp.stack([n0, v1, v2], axis=2)
    nf2 = jnp.stack([n0, v2, v0], axis=2)
    new_faces = jnp.concatenate([nf0, nf1, nf2], axis=1)

    row0 = jnp.concatenate([n0, n0, n0, v0, v1, v2, v1, v2, v0], axis=1)
    row1 = jnp.concatenate([v0, v1, v2, v1, v2, v0, n0, n0, n0], axis=1)
    new_edges = jnp.stack([row0, row1], axis=1)

    return (new_verts, new_faces, new_edges)

# --- scband reference (transcript-rebuilt; emitter-appended) ---
"""Pipeline reference for scband-graph-diff-face-unpool-19799799234718 (READ-ONLY COPY).

The authoritative reference and input builder live on the scoring server;
editing this copy changes nothing except your own understanding.
"""

import jax, jax.numpy as jnp
import numpy as np


def setup_inputs(seed: int = 0) -> dict:
    key = jax.random.key(seed)
    k1, k2 = jax.random.split(key)
    B, V, F, D = 2, 50000, 100000, 128
    x = jax.random.normal(k1, (B, V, D), dtype=jnp.float32)
    mask = jnp.ones((B, F), dtype=jnp.int32)
    face = jax.random.randint(k2, (B, F, 3), 0, V, dtype=jnp.int32)
    return {"x": x, "mask": mask, "face": face}


def reference(x, mask, face):
    B = x.shape[0]
    new_vert_list = []
    new_face_list = []
    new_edge_list = []
    for b in range(B):
        pool_face = jnp.where(mask[b][:, None] == 1, face[b], 0)
        remain_face = face[b][:0]
        # gather vertex features of pooled faces and average -> new vertex per face
        add_feat = jnp.sum(x[b][pool_face], axis=1) / pool_face.shape[-1]
        outputs = jnp.concatenate([x[b], add_feat], axis=0)
        V = x[b].shape[0]
        n0 = (jnp.arange(add_feat.shape[0]) + V).astype(pool_face.dtype)
        v0 = pool_face[:, 0]
        v1 = pool_face[:, 1]
        v2 = pool_face[:, 2]
        new_face0 = jnp.stack([n0, v0, v1], axis=1)
        new_face1 = jnp.stack([n0, v1, v2], axis=1)
        new_face2 = jnp.stack([n0, v2, v0], axis=1)
        new_faces = jnp.concatenate([remain_face, new_face0, new_face1, new_face2], axis=0)
        new_edges = jnp.concatenate(
            [new_faces[:, :2], new_faces[:, 1:], new_faces[:, jnp.array([2, 0])]], axis=0
        )
        new_vert_list.append(outputs)
        new_face_list.append(new_faces)
        new_edge_list.append(new_edges.T)
    new_verts = jnp.stack(new_vert_list, axis=0)
    new_faces = jnp.stack(new_face_list, axis=0)
    new_edges = jnp.stack(new_edge_list, axis=0)
    return (new_verts, new_faces, new_edges)

if __name__ == "__main__":
    import jax
    _d = setup_inputs()
    print(jax.jit(kernel)(*tuple(_d.values())))

</pallas_src>

<mosaic_0001>
#map = affine_map<(d0, d1) -> (0, 0)>
module attributes {stable_mosaic.version = 14 : i64} {
  func.func @body(%arg0: i32, %arg1: i32, %arg2: memref<100000x128xf32, #tpu.memory_space<hbm>>, %arg3: memref<3136x64xi32, #tpu.memory_space<hbm>>, %arg4: memref<3136x64xi32, #tpu.memory_space<hbm>>, %arg5: memref<3136x64xi32, #tpu.memory_space<hbm>>, %arg6: memref<200704x128xf32, #tpu.memory_space<hbm>>, %arg7: memref<2x64xi32, #tpu.memory_space<vmem>>, %arg8: memref<2x64xi32, #tpu.memory_space<vmem>>, %arg9: memref<2x64xi32, #tpu.memory_space<vmem>>, %arg10: memref<2x64x128xf32, #tpu.memory_space<vmem>>, %arg11: memref<2x64x128xf32, #tpu.memory_space<vmem>>, %arg12: memref<2x64x128xf32, #tpu.memory_space<vmem>>, %arg13: memref<2x64x128xf32, #tpu.memory_space<vmem>>, %arg14: memref<!tpu.dma_semaphore, #tpu.memory_space<semaphore_mem>>, %arg15: memref<!tpu.dma_semaphore, #tpu.memory_space<semaphore_mem>>, %arg16: memref<!tpu.dma_semaphore, #tpu.memory_space<semaphore_mem>>, %arg17: memref<!tpu.dma_semaphore, #tpu.memory_space<semaphore_mem>>) attributes {dimension_semantics = [#tpu.dimension_semantics<core_parallel>, #tpu.dimension_semantics<subcore_parallel>], iteration_bounds = array<i64: 2, 16>, scalar_prefetch = 0 : i64, scratch_operands = 11 : i64, tpu.core_type = #tpu.core_type<sc_vector_subcore>, window_params = [{transform_indices = #map}, {transform_indices = #map}, {transform_indices = #map}, {transform_indices = #map}, {transform_indices = #map}]} {
    %mul3A = arith.constant 2 : i32
    %mul3A_0 = arith.muli %arg1, %mul3A : i32
    %add3A = arith.addi %mul3A_0, %arg0 : i32
    %mul3A_1 = arith.constant 98 : i32
    %mul3A_2 = arith.muli %add3A, %mul3A_1 : i32
    %add3A_3 = arith.constant 0 : i32
    %add3A_4 = arith.addi %mul3A_2, %add3A_3 : i32
    %run_scoped3A = arith.constant 0 : i32
    "tpu.region"() ({
      %run_scoped3A_76 = tpu.sem_alloc : memref<!tpu.dma_semaphore, #tpu.memory_space<semaphore_mem>>
      %dma_start3A_77 = arith.constant 0 : i32
      %dma_start3A_78 = tpu.memref_slice %arg7[%run_scoped3A, %dma_start3A_77] : memref<2x64xi32, #tpu.memory_space<vmem>> -> memref<1x64xi32, #tpu.memory_space<vmem>>
      %dma_start3A_79 = tpu.memref_squeeze %dma_start3A_78 : memref<1x64xi32, #tpu.memory_space<vmem>> -> memref<64xi32, #tpu.memory_space<vmem>>
      %dma_start3A_80 = arith.constant 0 : i32
      %dma_start3A_81 = tpu.memref_slice %arg3[%add3A_4, %dma_start3A_80] : memref<3136x64xi32, #tpu.memory_space<hbm>> -> memref<1x64xi32, #tpu.memory_space<hbm>>
      %dma_start3A_82 = tpu.memref_squeeze %dma_start3A_81 : memref<1x64xi32, #tpu.memory_space<hbm>> -> memref<64xi32, #tpu.memory_space<hbm>>
      %dma_start3A_83 = arith.constant 0 : i32
      %dma_start3A_84 = tpu.memref_slice %arg7[%run_scoped3A, %dma_start3A_83] : memref<2x64xi32, #tpu.memory_space<vmem>> -> memref<1x64xi32, #tpu.memory_space<vmem>>
      %dma_start3A_85 = tpu.memref_squeeze %dma_start3A_84 : memref<1x64xi32, #tpu.memory_space<vmem>> -> memref<64xi32, #tpu.memory_space<vmem>>
      %dma_start3A_86 = arith.constant 0 : i32
      %dma_start3A_87 = tpu.memref_slice %arg3[%add3A_4, %dma_start3A_86] : memref<3136x64xi32, #tpu.memory_space<hbm>> -> memref<1x64xi32, #tpu.memory_space<hbm>>
      %dma_start3A_88 = tpu.memref_squeeze %dma_start3A_87 : memref<1x64xi32, #tpu.memory_space<hbm>> -> memref<64xi32, #tpu.memory_space<hbm>>
      tpu.enqueue_dma source(%dma_start3A_88 : memref<64xi32, #tpu.memory_space<hbm>>) target(%dma_start3A_85 : memref<64xi32, #tpu.memory_space<vmem>>) target_semaphore(%run_scoped3A_76 : memref<!tpu.dma_semaphore, #tpu.memory_space<semaphore_mem>>)
      %dma_wait3A_89 = arith.constant 0 : i32
      %dma_wait3A_90 = tpu.memref_slice %arg7[%run_scoped3A, %dma_wait3A_89] : memref<2x64xi32, #tpu.memory_space<vmem>> -> memref<1x64xi32, #tpu.memory_space<vmem>>
      %dma_wait3A_91 = tpu.memref_squeeze %dma_wait3A_90 : memref<1x64xi32, #tpu.memory_space<vmem>> -> memref<64xi32, #tpu.memory_space<vmem>>
      %dma_wait3A_92 = arith.constant 0 : i32
      %dma_wait3A_93 = tpu.memref_slice %arg3[%add3A_4, %dma_wait3A_92] : memref<3136x64xi32, #tpu.memory_space<hbm>> -> memref<1x64xi32, #tpu.memory_space<hbm>>
      %dma_wait3A_94 = tpu.memref_squeeze %dma_wait3A_93 : memref<1x64xi32, #tpu.memory_space<hbm>> -> memref<64xi32, #tpu.memory_space<hbm>>
      %dma_wait3A_95 = arith.constant 0 : i32
      %dma_wait3A_96 = tpu.memref_slice %arg7[%run_scoped3A, %dma_wait3A_95] : memref<2x64xi32, #tpu.memory_space<vmem>> -> memref<1x64xi32, #tpu.memory_space<vmem>>
      %dma_wait3A_97 = tpu.memref_squeeze %dma_wait3A_96 : memref<1x64xi32, #tpu.memory_space<vmem>> -> memref<64xi32, #tpu.memory_space<vmem>>
      %dma_wait3A_98 = arith.constant 0 : i32
      %dma_wait3A_99 = tpu.memref_slice %arg3[%add3A_4, %dma_wait3A_98] : memref<3136x64xi32, #tpu.memory_space<hbm>> -> memref<1x64xi32, #tpu.memory_space<hbm>>
      %dma_wait3A_100 = tpu.memref_squeeze %dma_wait3A_99 : memref<1x64xi32, #tpu.memory_space<hbm>> -> memref<64xi32, #tpu.memory_space<hbm>>
      tpu.wait_dma2 semaphore(%run_scoped3A_76 : memref<!tpu.dma_semaphore, #tpu.memory_space<semaphore_mem>>) src(%dma_wait3A_100 : memref<64xi32, #tpu.memory_space<hbm>>) dst(%dma_wait3A_97 : memref<64xi32, #tpu.memory_space<vmem>>)
      tpu.yield
    }) : () -> ()
    %run_scoped3A_5 = arith.constant 0 : i32
    "tpu.region"() ({
      %run_scoped3A_76 = tpu.sem_alloc : memref<!tpu.dma_semaphore, #tpu.memory_space<semaphore_mem>>
      %dma_start3A_77 = arith.constant 0 : i32
      %dma_start3A_78 = tpu.memref_slice %arg8[%run_scoped3A_5, %dma_start3A_77] : memref<2x64xi32, #tpu.memory_space<vmem>> -> memref<1x64xi32, #tpu.memory_space<vmem>>
      %dma_start3A_79 = tpu.memref_squeeze %dma_start3A_78 : memref<1x64xi32, #tpu.memory_space<vmem>> -> memref<64xi32, #tpu.memory_space<vmem>>
      %dma_start3A_80 = arith.constant 0 : i32
      %dma_start3A_81 = tpu.memref_slice %arg4[%add3A_4, %dma_start3A_80] : memref<3136x64xi32, #tpu.memory_space<hbm>> -> memref<1x64xi32, #tpu.memory_space<hbm>>
      %dma_start3A_82 = tpu.memref_squeeze %dma_start3A_81 : memref<1x64xi32, #tpu.memory_space<hbm>> -> memref<64xi32, #tpu.memory_space<hbm>>
      %dma_start3A_83 = arith.constant 0 : i32
      %dma_start3A_84 = tpu.memref_slice %arg8[%run_scoped3A_5, %dma_start3A_83] : memref<2x64xi32, #tpu.memory_space<vmem>> -> memref<1x64xi32, #tpu.memory_space<vmem>>
      %dma_start3A_85 = tpu.memref_squeeze %dma_start3A_84 : memref<1x64xi32, #tpu.memory_space<vmem>> -> memref<64xi32, #tpu.memory_space<vmem>>
      %dma_start3A_86 = arith.constant 0 : i32
      %dma_start3A_87 = tpu.memref_slice %arg4[%add3A_4, %dma_start3A_86] : memref<3136x64xi32, #tpu.memory_space<hbm>> -> memref<1x64xi32, #tpu.memory_space<hbm>>
      %dma_start3A_88 = tpu.memref_squeeze %dma_start3A_87 : memref<1x64xi32, #tpu.memory_space<hbm>> -> memref<64xi32, #tpu.memory_space<hbm>>
      tpu.enqueue_dma source(%dma_start3A_88 : memref<64xi32, #tpu.memory_space<hbm>>) target(%dma_start3A_85 : memref<64xi32, #tpu.memory_space<vmem>>) target_semaphore(%run_scoped3A_76 : memref<!tpu.dma_semaphore, #tpu.memory_space<semaphore_mem>>)
      %dma_wait3A_89 = arith.constant 0 : i32
      %dma_wait3A_90 = tpu.memref_slice %arg8[%run_scoped3A_5, %dma_wait3A_89] : memref<2x64xi32, #tpu.memory_space<vmem>> -> memref<1x64xi32, #tpu.memory_space<vmem>>
      %dma_wait3A_91 = tpu.memref_squeeze %dma_wait3A_90 : memref<1x64xi32, #tpu.memory_space<vmem>> -> memref<64xi32, #tpu.memory_space<vmem>>
      %dma_wait3A_92 = arith.constant 0 : i32
      %dma_wait3A_93 = tpu.memref_slice %arg4[%add3A_4, %dma_wait3A_92] : memref<3136x64xi32, #tpu.memory_space<hbm>> -> memref<1x64xi32, #tpu.memory_space<hbm>>
      %dma_wait3A_94 = tpu.memref_squeeze %dma_wait3A_93 : memref<1x64xi32, #tpu.memory_space<hbm>> -> memref<64xi32, #tpu.memory_space<hbm>>
      %dma_wait3A_95 = arith.constant 0 : i32
      %dma_wait3A_96 = tpu.memref_slice %arg8[%run_scoped3A_5, %dma_wait3A_95] : memref<2x64xi32, #tpu.memory_space<vmem>> -> memref<1x64xi32, #tpu.memory_space<vmem>>
      %dma_wait3A_97 = tpu.memref_squeeze %dma_wait3A_96 : memref<1x64xi32, #tpu.memory_space<vmem>> -> memref<64xi32, #tpu.memory_space<vmem>>
      %dma_wait3A_98 = arith.constant 0 : i32
      %dma_wait3A_99 = tpu.memref_slice %arg4[%add3A_4, %dma_wait3A_98] : memref<3136x64xi32, #tpu.memory_space<hbm>> -> memref<1x64xi32, #tpu.memory_space<hbm>>
      %dma_wait3A_100 = tpu.memref_squeeze %dma_wait3A_99 : memref<1x64xi32, #tpu.memory_space<hbm>> -> memref<64xi32, #tpu.memory_space<hbm>>
      tpu.wait_dma2 semaphore(%run_scoped3A_76 : memref<!tpu.dma_semaphore, #tpu.memory_space<semaphore_mem>>) src(%dma_wait3A_100 : memref<64xi32, #tpu.memory_space<hbm>>) dst(%dma_wait3A_97 : memref<64xi32, #tpu.memory_space<vmem>>)
      tpu.yield
    }) : () -> ()
    %run_scoped3A_6 = arith.constant 0 : i32
    "tpu.region"() ({
      %run_scoped3A_76 = tpu.sem_alloc : memref<!tpu.dma_semaphore, #tpu.memory_space<semaphore_mem>>
      %dma_start3A_77 = arith.constant 0 : i32
      %dma_start3A_78 = tpu.memref_slice %arg9[%run_scoped3A_6, %dma_start3A_77] : memref<2x64xi32, #tpu.memory_space<vmem>> -> memref<1x64xi32, #tpu.memory_space<vmem>>
      %dma_start3A_79 = tpu.memref_squeeze %dma_start3A_78 : memref<1x64xi32, #tpu.memory_space<vmem>> -> memref<64xi32, #tpu.memory_space<vmem>>
      %dma_start3A_80 = arith.constant 0 : i32
      %dma_start3A_81 = tpu.memref_slice %arg5[%add3A_4, %dma_start3A_80] : memref<3136x64xi32, #tpu.memory_space<hbm>> -> memref<1x64xi32, #tpu.memory_space<hbm>>
      %dma_start3A_82 = tpu.memref_squeeze %dma_start3A_81 : memref<1x64xi32, #tpu.memory_space<hbm>> -> memref<64xi32, #tpu.memory_space<hbm>>
      %dma_start3A_83 = arith.constant 0 : i32
      %dma_start3A_84 = tpu.memref_slice %arg9[%run_scoped3A_6, %dma_start3A_83] : memref<2x64xi32, #tpu.memory_space<vmem>> -> memref<1x64xi32, #tpu.memory_space<vmem>>
      %dma_start3A_85 = tpu.memref_squeeze %dma_start3A_84 : memref<1x64xi32, #tpu.memory_space<vmem>> -> memref<64xi32, #tpu.memory_space<vmem>>
      %dma_start3A_86 = arith.constant 0 : i32
      %dma_start3A_87 = tpu.memref_slice %arg5[%add3A_4, %dma_start3A_86] : memref<3136x64xi32, #tpu.memory_space<hbm>> -> memref<1x64xi32, #tpu.memory_space<hbm>>
      %dma_start3A_88 = tpu.memref_squeeze %dma_start3A_87 : memref<1x64xi32, #tpu.memory_space<hbm>> -> memref<64xi32, #tpu.memory_space<hbm>>
      tpu.enqueue_dma source(%dma_start3A_88 : memref<64xi32, #tpu.memory_space<hbm>>) target(%dma_start3A_85 : memref<64xi32, #tpu.memory_space<vmem>>) target_semaphore(%run_scoped3A_76 : memref<!tpu.dma_semaphore, #tpu.memory_space<semaphore_mem>>)
      %dma_wait3A_89 = arith.constant 0 : i32
      %dma_wait3A_90 = tpu.memref_slice %arg9[%run_scoped3A_6, %dma_wait3A_89] : memref<2x64xi32, #tpu.memory_space<vmem>> -> memref<1x64xi32, #tpu.memory_space<vmem>>
      %dma_wait3A_91 = tpu.memref_squeeze %dma_wait3A_90 : memref<1x64xi32, #tpu.memory_space<vmem>> -> memref<64xi32, #tpu.memory_space<vmem>>
      %dma_wait3A_92 = arith.constant 0 : i32
      %dma_wait3A_93 = tpu.memref_slice %arg5[%add3A_4, %dma_wait3A_92] : memref<3136x64xi32, #tpu.memory_space<hbm>> -> memref<1x64xi32, #tpu.memory_space<hbm>>
      %dma_wait3A_94 = tpu.memref_squeeze %dma_wait3A_93 : memref<1x64xi32, #tpu.memory_space<hbm>> -> memref<64xi32, #tpu.memory_space<hbm>>
      %dma_wait3A_95 = arith.constant 0 : i32
      %dma_wait3A_96 = tpu.memref_slice %arg9[%run_scoped3A_6, %dma_wait3A_95] : memref<2x64xi32, #tpu.memory_space<vmem>> -> memref<1x64xi32, #tpu.memory_space<vmem>>
      %dma_wait3A_97 = tpu.memref_squeeze %dma_wait3A_96 : memref<1x64xi32, #tpu.memory_space<vmem>> -> memref<64xi32, #tpu.memory_space<vmem>>
      %dma_wait3A_98 = arith.constant 0 : i32
      %dma_wait3A_99 = tpu.memref_slice %arg5[%add3A_4, %dma_wait3A_98] : memref<3136x64xi32, #tpu.memory_space<hbm>> -> memref<1x64xi32, #tpu.memory_space<hbm>>
      %dma_wait3A_100 = tpu.memref_squeeze %dma_wait3A_99 : memref<1x64xi32, #tpu.memory_space<hbm>> -> memref<64xi32, #tpu.memory_space<hbm>>
      tpu.wait_dma2 semaphore(%run_scoped3A_76 : memref<!tpu.dma_semaphore, #tpu.memory_space<semaphore_mem>>) src(%dma_wait3A_100 : memref<64xi32, #tpu.memory_space<hbm>>) dst(%dma_wait3A_97 : memref<64xi32, #tpu.memory_space<vmem>>)
      tpu.yield
    }) : () -> ()
    %dma_start3A = arith.constant 0 : i32
    %dma_start3A_7 = arith.constant 0 : i32
    %dma_start3A_8 = arith.constant 0 : i32
    %dma_start3A_9 = arith.constant 0 : i32
    %dma_start3A_10 = tpu.memref_slice %arg10[%dma_start3A_7, %dma_start3A_8, %dma_start3A_9] : memref<2x64x128xf32, #tpu.memory_space<vmem>> -> memref<1x64x128xf32, #tpu.memory_space<vmem>>
    %dma_start3A_11 = tpu.memref_squeeze %dma_start3A_10 : memref<1x64x128xf32, #tpu.memory_space<vmem>> -> memref<64x128xf32, #tpu.memory_space<vmem>>
    %dma_start3A_12 = arith.constant 0 : i32
    %dma_start3A_13 = tpu.memref_slice %arg7[%dma_start3A, %dma_start3A_12] : memref<2x64xi32, #tpu.memory_space<vmem>> -> memref<1x64xi32, #tpu.memory_space<vmem>>
    %dma_start3A_14 = tpu.memref_squeeze %dma_start3A_13 : memref<1x64xi32, #tpu.memory_space<vmem>> -> memref<64xi32, #tpu.memory_space<vmem>>
    %dma_start3A_15 = arith.constant 0 : i32
    %dma_start3A_16 = arith.constant 0 : i32
    %dma_start3A_17 = tpu.memref_slice %arg2[%dma_start3A_15, %dma_start3A_16] : memref<100000x128xf32, #tpu.memory_space<hbm>> -> memref<100000x128xf32, #tpu.memory_space<hbm>>
    tpu.enqueue_indirect_dma source(%dma_start3A_17 : memref<100000x128xf32, #tpu.memory_space<hbm>>) target(%dma_start3A_11 : memref<64x128xf32, #tpu.memory_space<vmem>>) offsets(%dma_start3A_14 : memref<64xi32, #tpu.memory_space<vmem>>) semaphore(%arg14 : memref<!tpu.dma_semaphore, #tpu.memory_space<semaphore_mem>>)
    %dma_start3A_18 = arith.constant 0 : i32
    %dma_start3A_19 = arith.constant 0 : i32
    %dma_start3A_20 = arith.constant 0 : i32
    %dma_start3A_21 = arith.constant 0 : i32
    %dma_start3A_22 = tpu.memref_slice %arg11[%dma_start3A_19, %dma_start3A_20, %dma_start3A_21] : memref<2x64x128xf32, #tpu.memory_space<vmem>> -> memref<1x64x128xf32, #tpu.memory_space<vmem>>
    %dma_start3A_23 = tpu.memref_squeeze %dma_start3A_22 : memref<1x64x128xf32, #tpu.memory_space<vmem>> -> memref<64x128xf32, #tpu.memory_space<vmem>>
    %dma_start3A_24 = arith.constant 0 : i32
    %dma_start3A_25 = tpu.memref_slice %arg8[%dma_start3A_18, %dma_start3A_24] : memref<2x64xi32, #tpu.memory_space<vmem>> -> memref<1x64xi32, #tpu.memory_space<vmem>>
    %dma_start3A_26 = tpu.memref_squeeze %dma_start3A_25 : memref<1x64xi32, #tpu.memory_space<vmem>> -> memref<64xi32, #tpu.memory_space<vmem>>
    %dma_start3A_27 = arith.constant 0 : i32
    %dma_start3A_28 = arith.constant 0 : i32
    %dma_start3A_29 = tpu.memref_slice %arg2[%dma_start3A_27, %dma_start3A_28] : memref<100000x128xf32, #tpu.memory_space<hbm>> -> memref<100000x128xf32, #tpu.memory_space<hbm>>
    tpu.enqueue_indirect_dma source(%dma_start3A_29 : memref<100000x128xf32, #tpu.memory_space<hbm>>) target(%dma_start3A_23 : memref<64x128xf32, #tpu.memory_space<vmem>>) offsets(%dma_start3A_26 : memref<64xi32, #tpu.memory_space<vmem>>) semaphore(%arg14 : memref<!tpu.dma_semaphore, #tpu.memory_space<semaphore_mem>>)
    %dma_start3A_30 = arith.constant 0 : i32
    %dma_start3A_31 = arith.constant 0 : i32
    %dma_start3A_32 = arith.constant 0 : i32
    %dma_start3A_33 = arith.constant 0 : i32
    %dma_start3A_34 = tpu.memref_slice %arg12[%dma_start3A_31, %dma_start3A_32, %dma_start3A_33] : memref<2x64x128xf32, #tpu.memory_space<vmem>> -> memref<1x64x128xf32, #tpu.memory_space<vmem>>
    %dma_start3A_35 = tpu.memref_squeeze %dma_start3A_34 : memref<1x64x128xf32, #tpu.memory_space<vmem>> -> memref<64x128xf32, #tpu.memory_space<vmem>>
    %dma_start3A_36 = arith.constant 0 : i32
    %dma_start3A_37 = tpu.memref_slice %arg9[%dma_start3A_30, %dma_start3A_36] : memref<2x64xi32, #tpu.memory_space<vmem>> -> memref<1x64xi32, #tpu.memory_space<vmem>>
    %dma_start3A_38 = tpu.memref_squeeze %dma_start3A_37 : memref<1x64xi32, #tpu.memory_space<vmem>> -> memref<64xi32, #tpu.memory_space<vmem>>
    %dma_start3A_39 = arith.constant 0 : i32
    %dma_start3A_40 = arith.constant 0 : i32
    %dma_start3A_41 = tpu.memref_slice %arg2[%dma_start3A_39, %dma_start3A_40] : memref<100000x128xf32, #tpu.memory_space<hbm>> -> memref<100000x128xf32, #tpu.memory_space<hbm>>
    tpu.enqueue_indirect_dma source(%dma_start3A_41 : memref<100000x128xf32, #tpu.memory_space<hbm>>) target(%dma_start3A_35 : memref<64x128xf32, #tpu.memory_space<vmem>>) offsets(%dma_start3A_38 : memref<64xi32, #tpu.memory_space<vmem>>) semaphore(%arg14 : memref<!tpu.dma_semaphore, #tpu.memory_space<semaphore_mem>>)
    %scan3A = arith.constant 0 : i32
    %scan3A_42 = arith.constant 0 : i32
    %scan3A_43 = arith.constant 49 : i32
    %scan3A_44 = arith.addi %scan3A_42, %scan3A_43 : i32
    %scan3A_45 = arith.constant 1 : i32
    scf.for %scan3A_76 = %scan3A_42 to %scan3A_44 step %scan3A_45  : i32 {
      %mul3A_77 = arith.constant 2 : i32
      %mul3A_78 = arith.muli %scan3A_76, %mul3A_77 : i32
      %add3A_79 = arith.constant 0 : i32
      %add3A_80 = arith.addi %mul3A_78, %add3A_79 : i32
      %add3A_81 = arith.constant 1 : i32
      %add3A_82 = arith.addi %add3A_80, %add3A_81 : i32
      %lt3A = arith.constant 98 : i32
      %lt3A_83 = arith.cmpi slt, %add3A_82, %lt3A : i32
      %convert_element_type3A = arith.extui %lt3A_83 : i1 to i32
      %cond3A = arith.constant 0 : i32
      %cond3A_84 = arith.cmpi ne, %convert_element_type3A, %cond3A : i32
      scf.if %cond3A_84 {
        %add3A_223 = arith.constant 1 : i32
        %add3A_224 = arith.addi %add3A_80, %add3A_223 : i32
        %add3A_225 = arith.addi %mul3A_2, %add3A_224 : i32
        %run_scoped3A_226 = arith.constant 1 : i32
        "tpu.region"() ({
          %run_scoped3A_265 = tpu.sem_alloc : memref<!tpu.dma_semaphore, #tpu.memory_space<semaphore_mem>>
          %dma_start3A_266 = arith.constant 0 : i32
          %dma_start3A_267 = tpu.memref_slice %arg7[%run_scoped3A_226, %dma_start3A_266] : memref<2x64xi32, #tpu.memory_space<vmem>> -> memref<1x64xi32, #tpu.memory_space<vmem>>
          %dma_start3A_268 = tpu.memref_squeeze %dma_start3A_267 : memref<1x64xi32, #tpu.memory_space<vmem>> -> memref<64xi32, #tpu.memory_space<vmem>>
          %dma_start3A_269 = arith.constant 0 : i32
          %dma_start3A_270 = tpu.memref_slice %arg3[%add3A_225, %dma_start3A_269] : memref<3136x64xi32, #tpu.memory_space<hbm>> -> memref<1x64xi32, #tpu.memory_space<hbm>>
          %dma_start3A_271 = tpu.memref_squeeze %dma_start3A_270 : memref<1x64xi32, #tpu.memory_space<hbm>> -> memref<64xi32, #tpu.memory_space<hbm>>
          %dma_start3A_272 = arith.constant 0 : i32
          %dma_start3A_273 = tpu.memref_slice %arg7[%run_scoped3A_226, %dma_start3A_272] : memref<2x64xi32, #tpu.memory_space<vmem>> -> memref<1x64xi32, #tpu.memory_space<vmem>>
          %dma_start3A_274 = tpu.memref_squeeze %dma_start3A_273 : memref<1x64xi32, #tpu.memory_space<vmem>> -> memref<64xi32, #tpu.memory_space<vmem>>
          %dma_start3A_275 = arith.constant 0 : i32
          %dma_start3A_276 = tpu.memref_slice %arg3[%add3A_225, %dma_start3A_275] : memref<3136x64xi32, #tpu.memory_space<hbm>> -> memref<1x64xi32, #tpu.memory_space<hbm>>
          %dma_start3A_277 = tpu.memref_squeeze %dma_start3A_276 : memref<1x64xi32, #tpu.memory_space<hbm>> -> memref<64xi32, #tpu.memory_space<hbm>>
          tpu.enqueue_dma source(%dma_start3A_277 : memref<64xi32, #tpu.memory_space<hbm>>) target(%dma_start3A_274 : memref<64xi32, #tpu.memory_space<vmem>>) target_semaphore(%run_scoped3A_265 : memref<!tpu.dma_semaphore, #tpu.memory_space<semaphore_mem>>)
          %dma_wait3A_278 = arith.constant 0 : i32
          %dma_wait3A_279 = tpu.memref_slice %arg7[%run_scoped3A_226, %dma_wait3A_278] : memref<2x64xi32, #tpu.memory_space<vmem>> -> memref<1x64xi32, #tpu.memory_space<vmem>>
          %dma_wait3A_280 = tpu.memref_squeeze %dma_wait3A_279 : memref<1x64xi32, #tpu.memory_space<vmem>> -> memref<64xi32, #tpu.memory_space<vmem>>
          %dma_wait3A_281 = arith.constant 0 : i32
          %dma_wait3A_282 = tpu.memref_slice %arg3[%add3A_225, %dma_wait3A_281] : memref<3136x64xi32, #tpu.memory_space<hbm>> -> memref<1x64xi32, #tpu.memory_space<hbm>>
          %dma_wait3A_283 = tpu.memref_squeeze %dma_wait3A_282 : memref<1x64xi32, #tpu.memory_space<hbm>> -> memref<64xi32, #tpu.memory_space<hbm>>
          %dma_wait3A_284 = arith.constant 0 : i32
          %dma_wait3A_285 = tpu.memref_slice %arg7[%run_scoped3A_226, %dma_wait3A_284] : memref<2x64xi32, #tpu.memory_space<vmem>> -> memref<1x64xi32, #tpu.memory_space<vmem>>
          %dma_wait3A_286 = tpu.memref_squeeze %dma_wait3A_285 : memref<1x64xi32, #tpu.memory_space<vmem>> -> memref<64xi32, #tpu.memory_space<vmem>>
          %dma_wait3A_287 = arith.constant 0 : i32
          %dma_wait3A_288 = tpu.memref_slice %arg3[%add3A_225, %dma_wait3A_287] : memref<3136x64xi32, #tpu.memory_space<hbm>> -> memref<1x64xi32, #tpu.memory_space<hbm>>
          %dma_wait3A_289 = tpu.memref_squeeze %dma_wait3A_288 : memref<1x64xi32, #tpu.memory_space<hbm>> -> memref<64xi32, #tpu.memory_space<hbm>>
          tpu.wait_dma2 semaphore(%run_scoped3A_265 : memref<!tpu.dma_semaphore, #tpu.memory_space<semaphore_mem>>) src(%dma_wait3A_289 : memref<64xi32, #tpu.memory_space<hbm>>) dst(%dma_wait3A_286 : memref<64xi32, #tpu.memory_space<vmem>>)
          tpu.yield
        }) : () -> ()
        %run_scoped3A_227 = arith.constant 1 : i32
        "tpu.region"() ({
          %run_scoped3A_265 = tpu.sem_alloc : memref<!tpu.dma_semaphore, #tpu.memory_space<semaphore_mem>>
          %dma_start3A_266 = arith.constant 0 : i32
          %dma_start3A_267 = tpu.memref_slice %arg8[%run_scoped3A_227, %dma_start3A_266] : memref<2x64xi32, #tpu.memory_space<vmem>> -> memref<1x64xi32, #tpu.memory_space<vmem>>
          %dma_start3A_268 = tpu.memref_squeeze %dma_start3A_267 : memref<1x64xi32, #tpu.memory_space<vmem>> -> memref<64xi32, #tpu.memory_space<vmem>>
          %dma_start3A_269 = arith.constant 0 : i32
          %dma_start3A_270 = tpu.memref_slice %arg4[%add3A_225, %dma_start3A_269] : memref<3136x64xi32, #tpu.memory_space<hbm>> -> memref<1x64xi32, #tpu.memory_space<hbm>>
          %dma_start3A_271 = tpu.memref_squeeze %dma_start3A_270 : memref<1x64xi32, #tpu.memory_space<hbm>> -> memref<64xi32, #tpu.memory_space<hbm>>
          %dma_start3A_272 = arith.constant 0 : i32
          %dma_start3A_273 = tpu.memref_slice %arg8[%run_scoped3A_227, %dma_start3A_272] : memref<2x64xi32, #tpu.memory_space<vmem>> -> memref<1x64xi32, #tpu.memory_space<vmem>>
          %dma_start3A_274 = tpu.memref_squeeze %dma_start3A_273 : memref<1x64xi32, #tpu.memory_space<vmem>> -> memref<64xi32, #tpu.memory_space<vmem>>
          %dma_start3A_275 = arith.constant 0 : i32
          %dma_start3A_276 = tpu.memref_slice %arg4[%add3A_225, %dma_start3A_275] : memref<3136x64xi32, #tpu.memory_space<hbm>> -> memref<1x64xi32, #tpu.memory_space<hbm>>
          %dma_start3A_277 = tpu.memref_squeeze %dma_start3A_276 : memref<1x64xi32, #tpu.memory_space<hbm>> -> memref<64xi32, #tpu.memory_space<hbm>>
          tpu.enqueue_dma source(%dma_start3A_277 : memref<64xi32, #tpu.memory_space<hbm>>) target(%dma_start3A_274 : memref<64xi32, #tpu.memory_space<vmem>>) target_semaphore(%run_scoped3A_265 : memref<!tpu.dma_semaphore, #tpu.memory_space<semaphore_mem>>)
          %dma_wait3A_278 = arith.constant 0 : i32
          %dma_wait3A_279 = tpu.memref_slice %arg8[%run_scoped3A_227, %dma_wait3A_278] : memref<2x64xi32, #tpu.memory_space<vmem>> -> memref<1x64xi32, #tpu.memory_space<vmem>>
          %dma_wait3A_280 = tpu.memref_squeeze %dma_wait3A_279 : memref<1x64xi32, #tpu.memory_space<vmem>> -> memref<64xi32, #tpu.memory_space<vmem>>
          %dma_wait3A_281 = arith.constant 0 : i32
          %dma_wait3A_282 = tpu.memref_slice %arg4[%add3A_225, %dma_wait3A_281] : memref<3136x64xi32, #tpu.memory_space<hbm>> -> memref<1x64xi32, #tpu.memory_space<hbm>>
          %dma_wait3A_283 = tpu.memref_squeeze %dma_wait3A_282 : memref<1x64xi32, #tpu.memory_space<hbm>> -> memref<64xi32, #tpu.memory_space<hbm>>
          %dma_wait3A_284 = arith.constant 0 : i32
          %dma_wait3A_285 = tpu.memref_slice %arg8[%run_scoped3A_227, %dma_wait3A_284] : memref<2x64xi32, #tpu.memory_space<vmem>> -> memref<1x64xi32, #tpu.memory_space<vmem>>
          %dma_wait3A_286 = tpu.memref_squeeze %dma_wait3A_285 : memref<1x64xi32, #tpu.memory_space<vmem>> -> memref<64xi32, #tpu.memory_space<vmem>>
          %dma_wait3A_287 = arith.constant 0 : i32
          %dma_wait3A_288 = tpu.memref_slice %arg4[%add3A_225, %dma_wait3A_287] : memref<3136x64xi32, #tpu.memory_space<hbm>> -> memref<1x64xi32, #tpu.memory_space<hbm>>
          %dma_wait3A_289 = tpu.memref_squeeze %dma_wait3A_288 : memref<1x64xi32, #tpu.memory_space<hbm>> -> memref<64xi32, #tpu.memory_space<hbm>>
          tpu.wait_dma2 semaphore(%run_scoped3A_265 : memref<!tpu.dma_semaphore, #tpu.memory_space<semaphore_mem>>) src(%dma_wait3A_289 : memref<64xi32, #tpu.memory_space<hbm>>) dst(%dma_wait3A_286 : memref<64xi32, #tpu.memory_space<vmem>>)
          tpu.yield
        }) : () -> ()
        %run_scoped3A_228 = arith.constant 1 : i32
        "tpu.region"() ({
          %run_scoped3A_265 = tpu.sem_alloc : memref<!tpu.dma_semaphore, #tpu.memory_space<semaphore_mem>>
          %dma_start3A_266 = arith.constant 0 : i32
          %dma_start3A_267 = tpu.memref_slice %arg9[%run_scoped3A_228, %dma_start3A_266] : memref<2x64xi32, #tpu.memory_space<vmem>> -> memref<1x64xi32, #tpu.memory_space<vmem>>
          %dma_start3A_268 = tpu.memref_squeeze %dma_start3A_267 : memref<1x64xi32, #tpu.memory_space<vmem>> -> memref<64xi32, #tpu.memory_space<vmem>>
          %dma_start3A_269 = arith.constant 0 : i32
          %dma_start3A_270 = tpu.memref_slice %arg5[%add3A_225, %dma_start3A_269] : memref<3136x64xi32, #tpu.memory_space<hbm>> -> memref<1x64xi32, #tpu.memory_space<hbm>>
          %dma_start3A_271 = tpu.memref_squeeze %dma_start3A_270 : memref<1x64xi32, #tpu.memory_space<hbm>> -> memref<64xi32, #tpu.memory_space<hbm>>
          %dma_start3A_272 = arith.constant 0 : i32
          %dma_start3A_273 = tpu.memref_slice %arg9[%run_scoped3A_228, %dma_start3A_272] : memref<2x64xi32, #tpu.memory_space<vmem>> -> memref<1x64xi32, #tpu.memory_space<vmem>>
          %dma_start3A_274 = tpu.memref_squeeze %dma_start3A_273 : memref<1x64xi32, #tpu.memory_space<vmem>> -> memref<64xi32, #tpu.memory_space<vmem>>
          %dma_start3A_275 = arith.constant 0 : i32
          %dma_start3A_276 = tpu.memref_slice %arg5[%add3A_225, %dma_start3A_275] : memref<3136x64xi32, #tpu.memory_space<hbm>> -> memref<1x64xi32, #tpu.memory_space<hbm>>
          %dma_start3A_277 = tpu.memref_squeeze %dma_start3A_276 : memref<1x64xi32, #tpu.memory_space<hbm>> -> memref<64xi32, #tpu.memory_space<hbm>>
          tpu.enqueue_dma source(%dma_start3A_277 : memref<64xi32, #tpu.memory_space<hbm>>) target(%dma_start3A_274 : memref<64xi32, #tpu.memory_space<vmem>>) target_semaphore(%run_scoped3A_265 : memref<!tpu.dma_semaphore, #tpu.memory_space<semaphore_mem>>)
          %dma_wait3A_278 = arith.constant 0 : i32
          %dma_wait3A_279 = tpu.memref_slice %arg9[%run_scoped3A_228, %dma_wait3A_278] : memref<2x64xi32, #tpu.memory_space<vmem>> -> memref<1x64xi32, #tpu.memory_space<vmem>>
          %dma_wait3A_280 = tpu.memref_squeeze %dma_wait3A_279 : memref<1x64xi32, #tpu.memory_space<vmem>> -> memref<64xi32, #tpu.memory_space<vmem>>
          %dma_wait3A_281 = arith.constant 0 : i32
          %dma_wait3A_282 = tpu.memref_slice %arg5[%add3A_225, %dma_wait3A_281] : memref<3136x64xi32, #tpu.memory_space<hbm>> -> memref<1x64xi32, #tpu.memory_space<hbm>>
          %dma_wait3A_283 = tpu.memref_squeeze %dma_wait3A_282 : memref<1x64xi32, #tpu.memory_space<hbm>> -> memref<64xi32, #tpu.memory_space<hbm>>
          %dma_wait3A_284 = arith.constant 0 : i32
          %dma_wait3A_285 = tpu.memref_slice %arg9[%run_scoped3A_228, %dma_wait3A_284] : memref<2x64xi32, #tpu.memory_space<vmem>> -> memref<1x64xi32, #tpu.memory_space<vmem>>
          %dma_wait3A_286 = tpu.memref_squeeze %dma_wait3A_285 : memref<1x64xi32, #tpu.memory_space<vmem>> -> memref<64xi32, #tpu.memory_space<vmem>>
          %dma_wait3A_287 = arith.constant 0 : i32
          %dma_wait3A_288 = tpu.memref_slice %arg5[%add3A_225, %dma_wait3A_287] : memref<3136x64xi32, #tpu.memory_space<hbm>> -> memref<1x64xi32, #tpu.memory_space<hbm>>
          %dma_wait3A_289 = tpu.memref_squeeze %dma_wait3A_288 : memref<1x64xi32, #tpu.memory_space<hbm>> -> memref<64xi32, #tpu.memory_space<hbm>>
          tpu.wait_dma2 semaphore(%run_scoped3A_265 : memref<!tpu.dma_semaphore, #tpu.memory_space<semaphore_mem>>) src(%dma_wait3A_289 : memref<64xi32, #tpu.memory_space<hbm>>) dst(%dma_wait3A_286 : memref<64xi32, #tpu.memory_space<vmem>>)
          tpu.yield
        }) : () -> ()
        %dma_start3A_229 = arith.constant 1 : i32
        %dma_start3A_230 = arith.constant 1 : i32
        %dma_start3A_231 = arith.constant 0 : i32
        %dma_start3A_232 = arith.constant 0 : i32
        %dma_start3A_233 = tpu.memref_slice %arg10[%dma_start3A_230, %dma_start3A_231, %dma_start3A_232] : memref<2x64x128xf32, #tpu.memory_space<vmem>> -> memref<1x64x128xf32, #tpu.memory_space<vmem>>
        %dma_start3A_234 = tpu.memref_squeeze %dma_start3A_233 : memref<1x64x128xf32, #tpu.memory_space<vmem>> -> memref<64x128xf32, #tpu.memory_space<vmem>>
        %dma_start3A_235 = arith.constant 0 : i32
        %dma_start3A_236 = tpu.memref_slice %arg7[%dma_start3A_229, %dma_start3A_235] : memref<2x64xi32, #tpu.memory_space<vmem>> -> memref<1x64xi32, #tpu.memory_space<vmem>>
        %dma_start3A_237 = tpu.memref_squeeze %dma_start3A_236 : memref<1x64xi32, #tpu.memory_space<vmem>> -> memref<64xi32, #tpu.memory_space<vmem>>
        %dma_start3A_238 = arith.constant 0 : i32
        %dma_start3A_239 = arith.constant 0 : i32
        %dma_start3A_240 = tpu.memref_slice %arg2[%dma_start3A_238, %dma_start3A_239] : memref<100000x128xf32, #tpu.memory_space<hbm>> -> memref<100000x128xf32, #tpu.memory_space<hbm>>
        tpu.enqueue_indirect_dma source(%dma_start3A_240 : memref<100000x128xf32, #tpu.memory_space<hbm>>) target(%dma_start3A_234 : memref<64x128xf32, #tpu.memory_space<vmem>>) offsets(%dma_start3A_237 : memref<64xi32, #tpu.memory_space<vmem>>) semaphore(%arg15 : memref<!tpu.dma_semaphore, #tpu.memory_space<semaphore_mem>>)
        %dma_start3A_241 = arith.constant 1 : i32
        %dma_start3A_242 = arith.constant 1 : i32
        %dma_start3A_243 = arith.constant 0 : i32
        %dma_start3A_244 = arith.constant 0 : i32
        %dma_start3A_245 = tpu.memref_slice %arg11[%dma_start3A_242, %dma_start3A_243, %dma_start3A_244] : memref<2x64x128xf32, #tpu.memory_space<vmem>> -> memref<1x64x128xf32, #tpu.memory_space<vmem>>
        %dma_start3A_246 = tpu.memref_squeeze %dma_start3A_245 : memref<1x64x128xf32, #tpu.memory_space<vmem>> -> memref<64x128xf32, #tpu.memory_space<vmem>>
        %dma_start3A_247 = arith.constant 0 : i32
        %dma_start3A_248 = tpu.memref_slice %arg8[%dma_start3A_241, %dma_start3A_247] : memref<2x64xi32, #tpu.memory_space<vmem>> -> memref<1x64xi32, #tpu.memory_space<vmem>>
        %dma_start3A_249 = tpu.memref_squeeze %dma_start3A_248 : memref<1x64xi32, #tpu.memory_space<vmem>> -> memref<64xi32, #tpu.memory_space<vmem>>
        %dma_start3A_250 = arith.constant 0 : i32
        %dma_start3A_251 = arith.constant 0 : i32
        %dma_start3A_252 = tpu.memref_slice %arg2[%dma_start3A_250, %dma_start3A_251] : memref<100000x128xf32, #tpu.memory_space<hbm>> -> memref<100000x128xf32, #tpu.memory_space<hbm>>
        tpu.enqueue_indirect_dma source(%dma_start3A_252 : memref<100000x128xf32, #tpu.memory_space<hbm>>) target(%dma_start3A_246 : memref<64x128xf32, #tpu.memory_space<vmem>>) offsets(%dma_start3A_249 : memref<64xi32, #tpu.memory_space<vmem>>) semaphore(%arg15 : memref<!tpu.dma_semaphore, #tpu.memory_space<semaphore_mem>>)
        %dma_start3A_253 = arith.constant 1 : i32
        %dma_start3A_254 = arith.constant 1 : i32
        %dma_start3A_255 = arith.constant 0 : i32
        %dma_start3A_256 = arith.constant 0 : i32
        %dma_start3A_257 = tpu.memref_slice %arg12[%dma_start3A_254, %dma_start3A_255, %dma_start3A_256] : memref<2x64x128xf32, #tpu.memory_space<vmem>> -> memref<1x64x128xf32, #tpu.memory_space<vmem>>
        %dma_start3A_258 = tpu.memref_squeeze %dma_start3A_257 : memref<1x64x128xf32, #tpu.memory_space<vmem>> -> memref<64x128xf32, #tpu.memory_space<vmem>>
        %dma_start3A_259 = arith.constant 0 : i32
        %dma_start3A_260 = tpu.memref_slice %arg9[%dma_start3A_253, %dma_start3A_259] : memref<2x64xi32, #tpu.memory_space<vmem>> -> memref<1x64xi32, #tpu.memory_space<vmem>>
        %dma_start3A_261 = tpu.memref_squeeze %dma_start3A_260 : memref<1x64xi32, #tpu.memory_space<vmem>> -> memref<64xi32, #tpu.memory_space<vmem>>
        %dma_start3A_262 = arith.constant 0 : i32
        %dma_start3A_263 = arith.constant 0 : i32
        %dma_start3A_264 = tpu.memref_slice %arg2[%dma_start3A_262, %dma_start3A_263] : memref<100000x128xf32, #tpu.memory_space<hbm>> -> memref<100000x128xf32, #tpu.memory_space<hbm>>
        tpu.enqueue_indirect_dma source(%dma_start3A_264 : memref<100000x128xf32, #tpu.memory_space<hbm>>) target(%dma_start3A_258 : memref<64x128xf32, #tpu.memory_space<vmem>>) offsets(%dma_start3A_261 : memref<64xi32, #tpu.memory_space<vmem>>) semaphore(%arg15 : memref<!tpu.dma_semaphore, #tpu.memory_space<semaphore_mem>>)
      } else {
      }
      %dma_wait3A_85 = arith.constant 0 : i32
      %dma_wait3A_86 = arith.constant 0 : i32
      %dma_wait3A_87 = arith.constant 0 : i32
      %dma_wait3A_88 = arith.constant 0 : i32
      %dma_wait3A_89 = tpu.memref_slice %arg10[%dma_wait3A_86, %dma_wait3A_87, %dma_wait3A_88] : memref<2x64x128xf32, #tpu.memory_space<vmem>> -> memref<1x64x128xf32, #tpu.memory_space<vmem>>
      %dma_wait3A_90 = tpu.memref_squeeze %dma_wait3A_89 : memref<1x64x128xf32, #tpu.memory_space<vmem>> -> memref<64x128xf32, #tpu.memory_space<vmem>>
      %dma_wait3A_91 = arith.constant 0 : i32
      %dma_wait3A_92 = tpu.memref_slice %arg7[%dma_wait3A_85, %dma_wait3A_91] : memref<2x64xi32, #tpu.memory_space<vmem>> -> memref<1x64xi32, #tpu.memory_space<vmem>>
      %dma_wait3A_93 = tpu.memref_squeeze %dma_wait3A_92 : memref<1x64xi32, #tpu.memory_space<vmem>> -> memref<64xi32, #tpu.memory_space<vmem>>
      %dma_wait3A_94 = arith.constant 0 : i32
      %dma_wait3A_95 = arith.constant 0 : i32
      %dma_wait3A_96 = tpu.memref_slice %arg2[%dma_wait3A_94, %dma_wait3A_95] : memref<100000x128xf32, #tpu.memory_space<hbm>> -> memref<100000x128xf32, #tpu.memory_space<hbm>>
      tpu.wait_indirect_dma semaphore(%arg14 : memref<!tpu.dma_semaphore, #tpu.memory_space<semaphore_mem>>) src(%dma_wait3A_96 : memref<100000x128xf32, #tpu.memory_space<hbm>>) dst(%dma_wait3A_90 : memref<64x128xf32, #tpu.memory_space<vmem>>)
      %dma_wait3A_97 = arith.constant 0 : i32
      %dma_wait3A_98 = arith.constant 0 : i32
      %dma_wait3A_99 = arith.constant 0 : i32
      %dma_wait3A_100 = arith.constant 0 : i32
      %dma_wait3A_101 = tpu.memref_slice %arg11[%dma_wait3A_98, %dma_wait3A_99, %dma_wait3A_100] : memref<2x64x128xf32, #tpu.memory_space<vmem>> -> memref<1x64x128xf32, #tpu.memory_space<vmem>>
      %dma_wait3A_102 = tpu.memref_squeeze %dma_wait3A_101 : memref<1x64x128xf32, #tpu.memory_space<vmem>> -> memref<64x128xf32, #tpu.memory_space<vmem>>
      %dma_wait3A_103 = arith.constant 0 : i32
      %dma_wait3A_104 = tpu.memref_slice %arg7[%dma_wait3A_97, %dma_wait3A_103] : memref<2x64xi32, #tpu.memory_space<vmem>> -> memref<1x64xi32, #tpu.memory_space<vmem>>
      %dma_wait3A_105 = tpu.memref_squeeze %dma_wait3A_104 : memref<1x64xi32, #tpu.memory_space<vmem>> -> memref<64xi32, #tpu.memory_space<vmem>>
      %dma_wait3A_106 = arith.constant 0 : i32
      %dma_wait3A_107 = arith.constant 0 : i32
      %dma_wait3A_108 = tpu.memref_slice %arg2[%dma_wait3A_106, %dma_wait3A_107] : memref<100000x128xf32, #tpu.memory_space<hbm>> -> memref<100000x128xf32, #tpu.memory_space<hbm>>
      tpu.wait_indirect_dma semaphore(%arg14 : memref<!tpu.dma_semaphore, #tpu.memory_space<semaphore_mem>>) src(%dma_wait3A_108 : memref<100000x128xf32, #tpu.memory_space<hbm>>) dst(%dma_wait3A_102 : memref<64x128xf32, #tpu.memory_space<vmem>>)
      %dma_wait3A_109 = arith.constant 0 : i32
      %dma_wait3A_110 = arith.constant 0 : i32
      %dma_wait3A_111 = arith.constant 0 : i32
      %dma_wait3A_112 = arith.constant 0 : i32
      %dma_wait3A_113 = tpu.memref_slice %arg12[%dma_wait3A_110, %dma_wait3A_111, %dma_wait3A_112] : memref<2x64x128xf32, #tpu.memory_space<vmem>> -> memref<1x64x128xf32, #tpu.memory_space<vmem>>
      %dma_wait3A_114 = tpu.memref_squeeze %dma_wait3A_113 : memref<1x64x128xf32, #tpu.memory_space<vmem>> -> memref<64x128xf32, #tpu.memory_space<vmem>>
      %dma_wait3A_115 = arith.constant 0 : i32
      %dma_wait3A_116 = tpu.memref_slice %arg7[%dma_wait3A_109, %dma_wait3A_115] : memref<2x64xi32, #tpu.memory_space<vmem>> -> memref<1x64xi32, #tpu.memory_space<vmem>>
      %dma_wait3A_117 = tpu.memref_squeeze %dma_wait3A_116 : memref<1x64xi32, #tpu.memory_space<vmem>> -> memref<64xi32, #tpu.memory_space<vmem>>
      %dma_wait3A_118 = arith.constant 0 : i32
      %dma_wait3A_119 = arith.constant 0 : i32
      %dma_wait3A_120 = tpu.memref_slice %arg2[%dma_wait3A_118, %dma_wait3A_119] : memref<100000x128xf32, #tpu.memory_space<hbm>> -> memref<100000x128xf32, #tpu.memory_space<hbm>>
      tpu.wait_indirect_dma semaphore(%arg14 : memref<!tpu.dma_semaphore, #tpu.memory_space<semaphore_mem>>) src(%dma_wait3A_120 : memref<100000x128xf32, #tpu.memory_space<hbm>>) dst(%dma_wait3A_114 : memref<64x128xf32, #tpu.memory_space<vmem>>)
      %scan3A_121 = arith.constant 0 : i32
      %scan3A_122 = arith.constant 0 : i32
      %scan3A_123 = arith.constant 64 : i32
      %scan3A_124 = arith.addi %scan3A_122, %scan3A_123 : i32
      %scan3A_125 = arith.constant 1 : i32
      %scan3A_126 = scf.for %scan3A_223 = %scan3A_122 to %scan3A_124 step %scan3A_125 iter_args(%scan3A_224 = %scan3A_121) -> (i32)  : i32 {
        %get3A = arith.constant 0 : i32
        %get3A_225 = arith.index_cast %get3A : i32 to index
        %get3A_226 = arith.index_cast %scan3A_223 : i32 to index
        %get3A_227 = arith.constant 0 : index
        %get3A_228 = tpu.vector_load %arg10[%get3A_225, %get3A_226, %get3A_227] {strides = array<i32>} : memref<2x64x128xf32, #tpu.memory_space<vmem>>, vector<1x1x16xf32>,
        %get3A_229 = vector.shape_cast %get3A_228 : vector<1x1x16xf32> to vector<16xf32>
        %get3A_230 = arith.constant 0 : i32
        %get3A_231 = arith.index_cast %get3A_230 : i32 to index
        %get3A_232 = arith.index_cast %scan3A_223 : i32 to index
        %get3A_233 = arith.constant 0 : index
        %get3A_234 = tpu.vector_load %arg11[%get3A_231, %get3A_232, %get3A_233] {strides = array<i32>} : memref<2x64x128xf32, #tpu.memory_space<vmem>>, vector<1x1x16xf32>,
        %get3A_235 = vector.shape_cast %get3A_234 : vector<1x1x16xf32> to vector<16xf32>
        %add3A_236 = arith.addf %get3A_229, %get3A_235 : vector<16xf32>
        %get3A_237 = arith.constant 0 : i32
        %get3A_238 = arith.index_cast %get3A_237 : i32 to index
        %get3A_239 = arith.index_cast %scan3A_223 : i32 to index
        %get3A_240 = arith.constant 0 : index
        %get3A_241 = tpu.vector_load %arg12[%get3A_238, %get3A_239, %get3A_240] {strides = array<i32>} : memref<2x64x128xf32, #tpu.memory_space<vmem>>, vector<1x1x16xf32>,
        %get3A_242 = vector.shape_cast %get3A_241 : vector<1x1x16xf32> to vector<16xf32>
        %add3A_243 = arith.addf %add3A_236, %get3A_242 : vector<16xf32>
        %mul3A_244 = arith.constant 0.333333343 : f32
        %mul3A_245 = vector.broadcast %mul3A_244 : f32 to vector<16xf32>
        %mul3A_246 = arith.mulf %add3A_243, %mul3A_245 : vector<16xf32>
        %swap3A = arith.constant 0 : i32
        %swap3A_247 = arith.index_cast %swap3A : i32 to index
        %swap3A_248 = arith.index_cast %scan3A_223 : i32 to index
        %swap3A_249 = arith.constant 0 : index
        %swap3A_250 = tpu.vector_load %arg13[%swap3A_247, %swap3A_248, %swap3A_249] {strides = array<i32>} : memref<2x64x128xf32, #tpu.memory_space<vmem>>, vector<1x1x16xf32>,
        %swap3A_251 = vector.shape_cast %swap3A_250 : vector<1x1x16xf32> to vector<16xf32>
        %swap3A_252 = vector.shape_cast %mul3A_246 : vector<16xf32> to vector<1x1x16xf32>
        tpu.vector_store %arg13[%swap3A_247, %swap3A_248, %swap3A_249], %swap3A_252 {strides = array<i32>} : memref<2x64x128xf32, #tpu.memory_space<vmem>>, vector<1x1x16xf32>,
        %get3A_253 = arith.constant 0 : i32
        %get3A_254 = arith.index_cast %get3A_253 : i32 to index
        %get3A_255 = arith.index_cast %scan3A_223 : i32 to index
        %get3A_256 = arith.constant 16 : index
        %get3A_257 = tpu.vector_load %arg10[%get3A_254, %get3A_255, %get3A_256] {strides = array<i32>} : memref<2x64x128xf32, #tpu.memory_space<vmem>>, vector<1x1x16xf32>,
        %get3A_258 = vector.shape_cast %get3A_257 : vector<1x1x16xf32> to vector<16xf32>
        %get3A_259 = arith.constant 0 : i32
        %get3A_260 = arith.index_cast %get3A_259 : i32 to index
        %get3A_261 = arith.index_cast %scan3A_223 : i32 to index
        %get3A_262 = arith.constant 16 : index
        %get3A_263 = tpu.vector_load %arg11[%get3A_260, %get3A_261, %get3A_262] {strides = array<i32>} : memref<2x64x128xf32, #tpu.memory_space<vmem>>, vector<1x1x16xf32>,
        %get3A_264 = vector.shape_cast %get3A_263 : vector<1x1x16xf32> to vector<16xf32>
        %add3A_265 = arith.addf %get3A_258, %get3A_264 : vector<16xf32>
        %get3A_266 = arith.constant 0 : i32
        %get3A_267 = arith.index_cast %get3A_266 : i32 to index
        %get3A_268 = arith.index_cast %scan3A_223 : i32 to index
        %get3A_269 = arith.constant 16 : index
        %get3A_270 = tpu.vector_load %arg12[%get3A_267, %get3A_268, %get3A_269] {strides = array<i32>} : memref<2x64x128xf32, #tpu.memory_space<vmem>>, vector<1x1x16xf32>,
        %get3A_271 = vector.shape_cast %get3A_270 : vector<1x1x16xf32> to vector<16xf32>
        %add3A_272 = arith.addf %add3A_265, %get3A_271 : vector<16xf32>
        %mul3A_273 = arith.constant 0.333333343 : f32
        %mul3A_274 = vector.broadcast %mul3A_273 : f32 to vector<16xf32>
        %mul3A_275 = arith.mulf %add3A_272, %mul3A_274 : vector<16xf32>
        %swap3A_276 = arith.constant 0 : i32
        %swap3A_277 = arith.index_cast %swap3A_276 : i32 to index
        %swap3A_278 = arith.index_cast %scan3A_223 : i32 to index
        %swap3A_279 = arith.constant 16 : index
        %swap3A_280 = tpu.vector_load %arg13[%swap3A_277, %swap3A_278, %swap3A_279] {strides = array<i32>} : memref<2x64x128xf32, #tpu.memory_space<vmem>>, vector<1x1x16xf32>,
        %swap3A_281 = vector.shape_cast %swap3A_280 : vector<1x1x16xf32> to vector<16xf32>
        %swap3A_282 = vector.shape_cast %mul3A_275 : vector<16xf32> to vector<1x1x16xf32>
        tpu.vector_store %arg13[%swap3A_277, %swap3A_278, %swap3A_279], %swap3A_282 {strides = array<i32>} : memref<2x64x128xf32, #tpu.memory_space<vmem>>, vector<1x1x16xf32>,
        %get3A_283 = arith.constant 0 : i32
        %get3A_284 = arith.index_cast %get3A_283 : i32 to index
        %get3A_285 = arith.index_cast %scan3A_223 : i32 to index
        %get3A_286 = arith.constant 32 : index
        %get3A_287 = tpu.vector_load %arg10[%get3A_284, %get3A_285, %get3A_286] {strides = array<i32>} : memref<2x64x128xf32, #tpu.memory_space<vmem>>, vector<1x1x16xf32>,
        %get3A_288 = vector.shape_cast %get3A_287 : vector<1x1x16xf32> to vector<16xf32>
        %get3A_289 = arith.constant 0 : i32
        %get3A_290 = arith.index_cast %get3A_289 : i32 to index
        %get3A_291 = arith.index_cast %scan3A_223 : i32 to index
        %get3A_292 = arith.constant 32 : index
        %get3A_293 = tpu.vector_load %arg11[%get3A_290, %get3A_291, %get3A_292] {strides = array<i32>} : memref<2x64x128xf32, #tpu.memory_space<vmem>>, vector<1x1x16xf32>,
        %get3A_294 = vector.shape_cast %get3A_293 : vector<1x1x16xf32> to vector<16xf32>
        %add3A_295 = arith.addf %get3A_288, %get3A_294 : vector<16xf32>
        %get3A_296 = arith.constant 0 : i32
        %get3A_297 = arith.index_cast %get3A_296 : i32 to index
        %get3A_298 = arith.index_cast %scan3A_223 : i32 to index
        %get3A_299 = arith.constant 32 : index
        %get3A_300 = tpu.vector_load %arg12[%get3A_297, %get3A_298, %get3A_299] {strides = array<i32>} : memref<2x64x128xf32, #tpu.memory_space<vmem>>, vector<1x1x16xf32>,
        %get3A_301 = vector.shape_cast %get3A_300 : vector<1x1x16xf32> to vector<16xf32>
        %add3A_302 = arith.addf %add3A_295, %get3A_301 : vector<16xf32>
        %mul3A_303 = arith.constant 0.333333343 : f32
        %mul3A_304 = vector.broadcast %mul3A_303 : f32 to vector<16xf32>
        %mul3A_305 = arith.mulf %add3A_302, %mul3A_304 : vector<16xf32>
        %swap3A_306 = arith.constant 0 : i32
        %swap3A_307 = arith.index_cast %swap3A_306 : i32 to index
        %swap3A_308 = arith.index_cast %scan3A_223 : i32 to index
        %swap3A_309 = arith.constant 32 : index
        %swap3A_310 = tpu.vector_load %arg13[%swap3A_307, %swap3A_308, %swap3A_309] {strides = array<i32>} : memref<2x64x128xf32, #tpu.memory_space<vmem>>, vector<1x1x16xf32>,
        %swap3A_311 = vector.shape_cast %swap3A_310 : vector<1x1x16xf32> to vector<16xf32>
        %swap3A_312 = vector.shape_cast %mul3A_305 : vector<16xf32> to vector<1x1x16xf32>
        tpu.vector_store %arg13[%swap3A_307, %swap3A_308, %swap3A_309], %swap3A_312 {strides = array<i32>} : memref<2x64x128xf32, #tpu.memory_space<vmem>>, vector<1x1x16xf32>,
        %get3A_313 = arith.constant 0 : i32
        %get3A_314 = arith.index_cast %get3A_313 : i32 to index
        %get3A_315 = arith.index_cast %scan3A_223 : i32 to index
        %get3A_316 = arith.constant 48 : index
        %get3A_317 = tpu.vector_load %arg10[%get3A_314, %get3A_315, %get3A_316] {strides = array<i32>} : memref<2x64x128xf32, #tpu.memory_space<vmem>>, vector<1x1x16xf32>,
        %get3A_318 = vector.shape_cast %get3A_317 : vector<1x1x16xf32> to vector<16xf32>
        %get3A_319 = arith.constant 0 : i32
        %get3A_320 = arith.index_cast %get3A_319 : i32 to index
        %get3A_321 = arith.index_cast %scan3A_223 : i32 to index
        %get3A_322 = arith.constant 48 : index
        %get3A_323 = tpu.vector_load %arg11[%get3A_320, %get3A_321, %get3A_322] {strides = array<i32>} : memref<2x64x128xf32, #tpu.memory_space<vmem>>, vector<1x1x16xf32>,
        %get3A_324 = vector.shape_cast %get3A_323 : vector<1x1x16xf32> to vector<16xf32>
        %add3A_325 = arith.addf %get3A_318, %get3A_324 : vector<16xf32>
        %get3A_326 = arith.constant 0 : i32
        %get3A_327 = arith.index_cast %get3A_326 : i32 to index
        %get3A_328 = arith.index_cast %scan3A_223 : i32 to index
        %get3A_329 = arith.constant 48 : index
        %get3A_330 = tpu.vector_load %arg12[%get3A_327, %get3A_328, %get3A_329] {strides = array<i32>} : memref<2x64x128xf32, #tpu.memory_space<vmem>>, vector<1x1x16xf32>,
        %get3A_331 = vector.shape_cast %get3A_330 : vector<1x1x16xf32> to vector<16xf32>
        %add3A_332 = arith.addf %add3A_325, %get3A_331 : vector<16xf32>
        %mul3A_333 = arith.constant 0.333333343 : f32
        %mul3A_334 = vector.broadcast %mul3A_333 : f32 to vector<16xf32>
        %mul3A_335 = arith.mulf %add3A_332, %mul3A_334 : vector<16xf32>
        %swap3A_336 = arith.constant 0 : i32
        %swap3A_337 = arith.index_cast %swap3A_336 : i32 to index
        %swap3A_338 = arith.index_cast %scan3A_223 : i32 to index
        %swap3A_339 = arith.constant 48 : index
        %swap3A_340 = tpu.vector_load %arg13[%swap3A_337, %swap3A_338, %swap3A_339] {strides = array<i32>} : memref<2x64x128xf32, #tpu.memory_space<vmem>>, vector<1x1x16xf32>,
        %swap3A_341 = vector.shape_cast %swap3A_340 : vector<1x1x16xf32> to vector<16xf32>
        %swap3A_342 = vector.shape_cast %mul3A_335 : vector<16xf32> to vector<1x1x16xf32>
        tpu.vector_store %arg13[%swap3A_337, %swap3A_338, %swap3A_339], %swap3A_342 {strides = array<i32>} : memref<2x64x128xf32, #tpu.memory_space<vmem>>, vector<1x1x16xf32>,
        %get3A_343 = arith.constant 0 : i32
        %get3A_344 = arith.index_cast %get3A_343 : i32 to index
        %get3A_345 = arith.index_cast %scan3A_223 : i32 to index
        %get3A_346 = arith.constant 64 : index
        %get3A_347 = tpu.vector_load %arg10[%get3A_344, %get3A_345, %get3A_346] {strides = array<i32>} : memref<2x64x128xf32, #tpu.memory_space<vmem>>, vector<1x1x16xf32>,
        %get3A_348 = vector.shape_cast %get3A_347 : vector<1x1x16xf32> to vector<16xf32>
        %get3A_349 = arith.constant 0 : i32
        %get3A_350 = arith.index_cast %get3A_349 : i32 to index
        %get3A_351 = arith.index_cast %scan3A_223 : i32 to index
        %get3A_352 = arith.constant 64 : index
        %get3A_353 = tpu.vector_load %arg11[%get3A_350, %get3A_351, %get3A_352] {strides = array<i32>} : memref<2x64x128xf32, #tpu.memory_space<vmem>>, vector<1x1x16xf32>,
        %get3A_354 = vector.shape_cast %get3A_353 : vector<1x1x16xf32> to vector<16xf32>
        %add3A_355 = arith.addf %get3A_348, %get3A_354 : vector<16xf32>
        %get3A_356 = arith.constant 0 : i32
        %get3A_357 = arith.index_cast %get3A_356 : i32 to index
        %get3A_358 = arith.index_cast %scan3A_223 : i32 to index
        %get3A_359 = arith.constant 64 : index
        %get3A_360 = tpu.vector_load %arg12[%get3A_357, %get3A_358, %get3A_359] {strides = array<i32>} : memref<2x64x128xf32, #tpu.memory_space<vmem>>, vector<1x1x16xf32>,
        %get3A_361 = vector.shape_cast %get3A_360 : vector<1x1x16xf32> to vector<16xf32>
        %add3A_362 = arith.addf %add3A_355, %get3A_361 : vector<16xf32>
        %mul3A_363 = arith.constant 0.333333343 : f32
        %mul3A_364 = vector.broadcast %mul3A_363 : f32 to vector<16xf32>
        %mul3A_365 = arith.mulf %add3A_362, %mul3A_364 : vector<16xf32>
        %swap3A_366 = arith.constant 0 : i32
        %swap3A_367 = arith.index_cast %swap3A_366 : i32 to index
        %swap3A_368 = arith.index_cast %scan3A_223 : i32 to index
        %swap3A_369 = arith.constant 64 : index
        %swap3A_370 = tpu.vector_load %arg13[%swap3A_367, %swap3A_368, %swap3A_369] {strides = array<i32>} : memref<2x64x128xf32, #tpu.memory_space<vmem>>, vector<1x1x16xf32>,
        %swap3A_371 = vector.shape_cast %swap3A_370 : vector<1x1x16xf32> to vector<16xf32>
        %swap3A_372 = vector.shape_cast %mul3A_365 : vector<16xf32> to vector<1x1x16xf32>
        tpu.vector_store %arg13[%swap3A_367, %swap3A_368, %swap3A_369], %swap3A_372 {strides = array<i32>} : memref<2x64x128xf32, #tpu.memory_space<vmem>>, vector<1x1x16xf32>,
        %get3A_373 = arith.constant 0 : i32
        %get3A_374 = arith.index_cast %get3A_373 : i32 to index
        %get3A_375 = arith.index_cast %scan3A_223 : i32 to index
        %get3A_376 = arith.constant 80 : index
        %get3A_377 = tpu.vector_load %arg10[%get3A_374, %get3A_375, %get3A_376] {strides = array<i32>} : memref<2x64x128xf32, #tpu.memory_space<vmem>>, vector<1x1x16xf32>,
        %get3A_378 = vector.shape_cast %get3A_377 : vector<1x1x16xf32> to vector<16xf32>
        %get3A_379 = arith.constant 0 : i32
        %get3A_380 = arith.index_cast %get3A_379 : i32 to index
        %get3A_381 = arith.index_cast %scan3A_223 : i32 to index
        %get3A_382 = arith.constant 80 : index
        %get3A_383 = tpu.vector_load %arg11[%get3A_380, %get3A_381, %get3A_382] {strides = array<i32>} : memref<2x64x128xf32, #tpu.memory_space<vmem>>, vector<1x1x16xf32>,
        %get3A_384 = vector.shape_cast %get3A_383 : vector<1x1x16xf32> to vector<16xf32>
        %add3A_385 = arith.addf %get3A_378, %get3A_384 : vector<16xf32>
        %get3A_386 = arith.constant 0 : i32
        %get3A_387 = arith.index_cast %get3A_386 : i32 to index
        %get3A_388 = arith.index_cast %scan3A_223 : i32 to index
        %get3A_389 = arith.constant 80 : index
        %get3A_390 = tpu.vector_load %arg12[%get3A_387, %get3A_388, %get3A_389] {strides = array<i32>} : memref<2x64x128xf32, #tpu.memory_space<vmem>>, vector<1x1x16xf32>,
        %get3A_391 = vector.shape_cast %get3A_390 : vector<1x1x16xf32> to vector<16xf32>
        %add3A_392 = arith.addf %add3A_385, %get3A_391 : vector<16xf32>
        %mul3A_393 = arith.constant 0.333333343 : f32
        %mul3A_394 = vector.broadcast %mul3A_393 : f32 to vector<16xf32>
        %mul3A_395 = arith.mulf %add3A_392, %mul3A_394 : vector<16xf32>
        %swap3A_396 = arith.constant 0 : i32
        %swap3A_397 = arith.index_cast %swap3A_396 : i32 to index
        %swap3A_398 = arith.index_cast %scan3A_223 : i32 to index
        %swap3A_399 = arith.constant 80 : index
        %swap3A_400 = tpu.vector_load %arg13[%swap3A_397, %swap3A_398, %swap3A_399] {strides = array<i32>} : memref<2x64x128xf32, #tpu.memory_space<vmem>>, vector<1x1x16xf32>,
        %swap3A_401 = vector.shape_cast %swap3A_400 : vector<1x1x16xf32> to vector<16xf32>
        %swap3A_402 = vector.shape_cast %mul3A_395 : vector<16xf32> to vector<1x1x16xf32>
        tpu.vector_store %arg13[%swap3A_397, %swap3A_398, %swap3A_399], %swap3A_402 {strides = array<i32>} : memref<2x64x128xf32, #tpu.memory_space<vmem>>, vector<1x1x16xf32>,
        %get3A_403 = arith.constant 0 : i32
        %get3A_404 = arith.index_cast %get3A_403 : i32 to index
        %get3A_405 = arith.index_cast %scan3A_223 : i32 to index
        %get3A_406 = arith.constant 96 : index
        %get3A_407 = tpu.vector_load %arg10[%get3A_404, %get3A_405, %get3A_406] {strides = array<i32>} : memref<2x64x128xf32, #tpu.memory_space<vmem>>, vector<1x1x16xf32>,
        %get3A_408 = vector.shape_cast %get3A_407 : vector<1x1x16xf32> to vector<16xf32>
        %get3A_409 = arith.constant 0 : i32
        %get3A_410 = arith.index_cast %get3A_409 : i32 to index
        %get3A_411 = arith.index_cast %scan3A_223 : i32 to index
        %get3A_412 = arith.constant 96 : index
        %get3A_413 = tpu.vector_load %arg11[%get3A_410, %get3A_411, %get3A_412] {strides = array<i32>} : memref<2x64x128xf32, #tpu.memory_space<vmem>>, vector<1x1x16xf32>,
        %get3A_414 = vector.shape_cast %get3A_413 : vector<1x1x16xf32> to vector<16xf32>
        %add3A_415 = arith.addf %get3A_408, %get3A_414 : vector<16xf32>
        %get3A_416 = arith.constant 0 : i32
        %get3A_417 = arith.index_cast %get3A_416 : i32 to index
        %get3A_418 = arith.index_cast %scan3A_223 : i32 to index
        %get3A_419 = arith.constant 96 : index
        %get3A_420 = tpu.vector_load %arg12[%get3A_417, %get3A_418, %get3A_419] {strides = array<i32>} : memref<2x64x128xf32, #tpu.memory_space<vmem>>, vector<1x1x16xf32>,
        %get3A_421 = vector.shape_cast %get3A_420 : vector<1x1x16xf32> to vector<16xf32>
        %add3A_422 = arith.addf %add3A_415, %get3A_421 : vector<16xf32>
        %mul3A_423 = arith.constant 0.333333343 : f32
        %mul3A_424 = vector.broadcast %mul3A_423 : f32 to vector<16xf32>
        %mul3A_425 = arith.mulf %add3A_422, %mul3A_424 : vector<16xf32>
        %swap3A_426 = arith.constant 0 : i32
        %swap3A_427 = arith.index_cast %swap3A_426 : i32 to index
        %swap3A_428 = arith.index_cast %scan3A_223 : i32 to index
        %swap3A_429 = arith.constant 96 : index
        %swap3A_430 = tpu.vector_load %arg13[%swap3A_427, %swap3A_428, %swap3A_429] {strides = array<i32>} : memref<2x64x128xf32, #tpu.memory_space<vmem>>, vector<1x1x16xf32>,
        %swap3A_431 = vector.shape_cast %swap3A_430 : vector<1x1x16xf32> to vector<16xf32>
        %swap3A_432 = vector.shape_cast %mul3A_425 : vector<16xf32> to vector<1x1x16xf32>
        tpu.vector_store %arg13[%swap3A_427, %swap3A_428, %swap3A_429], %swap3A_432 {strides = array<i32>} : memref<2x64x128xf32, #tpu.memory_space<vmem>>, vector<1x1x16xf32>,
        %get3A_433 = arith.constant 0 : i32
        %get3A_434 = arith.index_cast %get3A_433 : i32 to index
        %get3A_435 = arith.index_cast %scan3A_223 : i32 to index
        %get3A_436 = arith.constant 112 : index
        %get3A_437 = tpu.vector_load %arg10[%get3A_434, %get3A_435, %get3A_436] {strides = array<i32>} : memref<2x64x128xf32, #tpu.memory_space<vmem>>, vector<1x1x16xf32>,
        %get3A_438 = vector.shape_cast %get3A_437 : vector<1x1x16xf32> to vector<16xf32>
        %get3A_439 = arith.constant 0 : i32
        %get3A_440 = arith.index_cast %get3A_439 : i32 to index
        %get3A_441 = arith.index_cast %scan3A_223 : i32 to index
        %get3A_442 = arith.constant 112 : index
        %get3A_443 = tpu.vector_load %arg11[%get3A_440, %get3A_441, %get3A_442] {strides = array<i32>} : memref<2x64x128xf32, #tpu.memory_space<vmem>>, vector<1x1x16xf32>,
        %get3A_444 = vector.shape_cast %get3A_443 : vector<1x1x16xf32> to vector<16xf32>
        %add3A_445 = arith.addf %get3A_438, %get3A_444 : vector<16xf32>
        %get3A_446 = arith.constant 0 : i32
        %get3A_447 = arith.index_cast %get3A_446 : i32 to index
        %get3A_448 = arith.index_cast %scan3A_223 : i32 to index
        %get3A_449 = arith.constant 112 : index
        %get3A_450 = tpu.vector_load %arg12[%get3A_447, %get3A_448, %get3A_449] {strides = array<i32>} : memref<2x64x128xf32, #tpu.memory_space<vmem>>, vector<1x1x16xf32>,
        %get3A_451 = vector.shape_cast %get3A_450 : vector<1x1x16xf32> to vector<16xf32>
        %add3A_452 = arith.addf %add3A_445, %get3A_451 : vector<16xf32>
        %mul3A_453 = arith.constant 0.333333343 : f32
        %mul3A_454 = vector.broadcast %mul3A_453 : f32 to vector<16xf32>
        %mul3A_455 = arith.mulf %add3A_452, %mul3A_454 : vector<16xf32>
        %swap3A_456 = arith.constant 0 : i32
        %swap3A_457 = arith.index_cast %swap3A_456 : i32 to index
        %swap3A_458 = arith.index_cast %scan3A_223 : i32 to index
        %swap3A_459 = arith.constant 112 : index
        %swap3A_460 = tpu.vector_load %arg13[%swap3A_457, %swap3A_458, %swap3A_459] {strides = array<i32>} : memref<2x64x128xf32, #tpu.memory_space<vmem>>, vector<1x1x16xf32>,
        %swap3A_461 = vector.shape_cast %swap3A_460 : vector<1x1x16xf32> to vector<16xf32>
        %swap3A_462 = vector.shape_cast %mul3A_455 : vector<16xf32> to vector<1x1x16xf32>
        tpu.vector_store %arg13[%swap3A_457, %swap3A_458, %swap3A_459], %swap3A_462 {strides = array<i32>} : memref<2x64x128xf32, #tpu.memory_space<vmem>>, vector<1x1x16xf32>,
        %scan3A_463 = arith.constant 0 : i32
        scf.yield %scan3A_463 : i32
      }
      %scan3A_127 = arith.constant 64 : i32
      %ge3A = arith.constant 2 : i32
      %ge3A_128 = arith.cmpi sge, %add3A_80, %ge3A : i32
      %convert_element_type3A_129 = arith.extui %ge3A_128 : i1 to i32
      %cond3A_130 = arith.constant 0 : i32
      %cond3A_131 = arith.cmpi ne, %convert_element_type3A_129, %cond3A_130 : i32
      scf.if %cond3A_131 {
        %dma_wait3A_223 = arith.constant 0 : i32
        %dma_wait3A_224 = arith.constant 0 : i32
        %dma_wait3A_225 = arith.constant 0 : i32
        %dma_wait3A_226 = tpu.memref_slice %arg13[%dma_wait3A_223, %dma_wait3A_224, %dma_wait3A_225] : memref<2x64x128xf32, #tpu.memory_space<vmem>> -> memref<1x64x128xf32, #tpu.memory_space<vmem>>
        %dma_wait3A_227 = tpu.memref_squeeze %dma_wait3A_226 : memref<1x64x128xf32, #tpu.memory_space<vmem>> -> memref<64x128xf32, #tpu.memory_space<vmem>>
        %dma_wait3A_228 = arith.constant 0 : i32
        %dma_wait3A_229 = arith.constant 0 : i32
        %dma_wait3A_230 = tpu.memref_slice %arg6[%dma_wait3A_228, %dma_wait3A_229] : memref<200704x128xf32, #tpu.memory_space<hbm>> -> memref<64x128xf32, #tpu.memory_space<hbm>>
        %dma_wait3A_231 = arith.constant 0 : i32
        %dma_wait3A_232 = arith.constant 0 : i32
        %dma_wait3A_233 = tpu.memref_slice %arg6[%dma_wait3A_231, %dma_wait3A_232] : memref<200704x128xf32, #tpu.memory_space<hbm>> -> memref<64x128xf32, #tpu.memory_space<hbm>>
        %dma_wait3A_234 = arith.constant 0 : i32
        %dma_wait3A_235 = arith.constant 0 : i32
        %dma_wait3A_236 = tpu.memref_slice %arg13[%dma_wait3A_223, %dma_wait3A_234, %dma_wait3A_235] : memref<2x64x128xf32, #tpu.memory_space<vmem>> -> memref<1x64x128xf32, #tpu.memory_space<vmem>>
        %dma_wait3A_237 = tpu.memref_squeeze %dma_wait3A_236 : memref<1x64x128xf32, #tpu.memory_space<vmem>> -> memref<64x128xf32, #tpu.memory_space<vmem>>
        tpu.wait_dma2 semaphore(%arg16 : memref<!tpu.dma_semaphore, #tpu.memory_space<semaphore_mem>>) src(%dma_wait3A_237 : memref<64x128xf32, #tpu.memory_space<vmem>>) dst(%dma_wait3A_233 : memref<64x128xf32, #tpu.memory_space<hbm>>)
      } else {
      }
      %add3A_132 = arith.addi %mul3A_2, %add3A_80 : i32
      %mul3A_133 = arith.constant 64 : i32
      %mul3A_134 = arith.muli %add3A_132, %mul3A_133 : i32
      %dma_start3A_135 = arith.constant 0 : i32
      %dma_start3A_136 = arith.constant 0 : i32
      %dma_start3A_137 = arith.constant 0 : i32
      %dma_start3A_138 = tpu.memref_slice %arg13[%dma_start3A_135, %dma_start3A_136, %dma_start3A_137] : memref<2x64x128xf32, #tpu.memory_space<vmem>> -> memref<1x64x128xf32, #tpu.memory_space<vmem>>
      %dma_start3A_139 = tpu.memref_squeeze %dma_start3A_138 : memref<1x64x128xf32, #tpu.memory_space<vmem>> -> memref<64x128xf32, #tpu.memory_space<vmem>>
      %dma_start3A_140 = arith.constant 0 : i32
      %dma_start3A_141 = tpu.memref_slice %arg6[%mul3A_134, %dma_start3A_140] : memref<200704x128xf32, #tpu.memory_space<hbm>> -> memref<64x128xf32, #tpu.memory_space<hbm>>
      %dma_start3A_142 = arith.constant 0 : i32
      %dma_start3A_143 = tpu.memref_slice %arg6[%mul3A_134, %dma_start3A_142] : memref<200704x128xf32, #tpu.memory_space<hbm>> -> memref<64x128xf32, #tpu.memory_space<hbm>>
      %dma_start3A_144 = arith.constant 0 : i32
      %dma_start3A_145 = arith.constant 0 : i32
      %dma_start3A_146 = tpu.memref_slice %arg13[%dma_start3A_135, %dma_start3A_144, %dma_start3A_145] : memref<2x64x128xf32, #tpu.memory_space<vmem>> -> memref<1x64x128xf32, #tpu.memory_space<vmem>>
      %dma_start3A_147 = tpu.memref_squeeze %dma_start3A_146 : memref<1x64x128xf32, #tpu.memory_space<vmem>> -> memref<64x128xf32, #tpu.memory_space<vmem>>
      tpu.enqueue_dma source(%dma_start3A_147 : memref<64x128xf32, #tpu.memory_space<vmem>>) target(%dma_start3A_143 : memref<64x128xf32, #tpu.memory_space<hbm>>) target_semaphore(%arg16 : memref<!tpu.dma_semaphore, #tpu.memory_space<semaphore_mem>>)
      %mul3A_148 = arith.constant 2 : i32
      %mul3A_149 = arith.muli %scan3A_76, %mul3A_148 : i32
      %add3A_150 = arith.constant 1 : i32
      %add3A_151 = arith.addi %mul3A_149, %add3A_150 : i32
      %add3A_152 = arith.constant 1 : i32
      %add3A_153 = arith.addi %add3A_151, %add3A_152 : i32
      %lt3A_154 = arith.constant 98 : i32
      %lt3A_155 = arith.cmpi slt, %add3A_153, %lt3A_154 : i32
      %convert_element_type3A_156 = arith.extui %lt3A_155 : i1 to i32
      %cond3A_157 = arith.constant 0 : i32
      %cond3A_158 = arith.cmpi ne, %convert_element_type3A_156, %cond3A_157 : i32
      scf.if %cond3A_158 {
        %add3A_223 = arith.constant 1 : i32
        %add3A_224 = arith.addi %add3A_151, %add3A_223 : i32
        %add3A_225 = arith.addi %mul3A_2, %add3A_224 : i32
        %run_scoped3A_226 = arith.constant 0 : i32
        "tpu.region"() ({
          %run_scoped3A_265 = tpu.sem_alloc : memref<!tpu.dma_semaphore, #tpu.memory_space<semaphore_mem>>
          %dma_start3A_266 = arith.constant 0 : i32
          %dma_start3A_267 = tpu.memref_slice %arg7[%run_scoped3A_226, %dma_start3A_266] : memref<2x64xi32, #tpu.memory_space<vmem>> -> memref<1x64xi32, #tpu.memory_space<vmem>>
          %dma_start3A_268 = tpu.memref_squeeze %dma_start3A_267 : memref<1x64xi32, #tpu.memory_space<vmem>> -> memref<64xi32, #tpu.memory_space<vmem>>
          %dma_start3A_269 = arith.constant 0 : i32
          %dma_start3A_270 = tpu.memref_slice %arg3[%add3A_225, %dma_start3A_269] : memref<3136x64xi32, #tpu.memory_space<hbm>> -> memref<1x64xi32, #tpu.memory_space<hbm>>
          %dma_start3A_271 = tpu.memref_squeeze %dma_start3A_270 : memref<1x64xi32, #tpu.memory_space<hbm>> -> memref<64xi32, #tpu.memory_space<hbm>>
          %dma_start3A_272 = arith.constant 0 : i32
          %dma_start3A_273 = tpu.memref_slice %arg7[%run_scoped3A_226, %dma_start3A_272] : memref<2x64xi32, #tpu.memory_space<vmem>> -> memref<1x64xi32, #tpu.memory_space<vmem>>
          %dma_start3A_274 = tpu.memref_squeeze %dma_start3A_273 : memref<1x64xi32, #tpu.memory_space<vmem>> -> memref<64xi32, #tpu.memory_space<vmem>>
          %dma_start3A_275 = arith.constant 0 : i32
          %dma_start3A_276 = tpu.memref_slice %arg3[%add3A_225, %dma_start3A_275] : memref<3136x64xi32, #tpu.memory_space<hbm>> -> memref<1x64xi32, #tpu.memory_space<hbm>>
          %dma_start3A_277 = tpu.memref_squeeze %dma_start3A_276 : memref<1x64xi32, #tpu.memory_space<hbm>> -> memref<64xi32, #tpu.memory_space<hbm>>
          tpu.enqueue_dma source(%dma_start3A_277 : memref<64xi32, #tpu.memory_space<hbm>>) target(%dma_start3A_274 : memref<64xi32, #tpu.memory_space<vmem>>) target_semaphore(%run_scoped3A_265 : memref<!tpu.dma_semaphore, #tpu.memory_space<semaphore_mem>>)
          %dma_wait3A_278 = arith.constant 0 : i32
          %dma_wait3A_279 = tpu.memref_slice %arg7[%run_scoped3A_226, %dma_wait3A_278] : memref<2x64xi32, #tpu.memory_space<vmem>> -> memref<1x64xi32, #tpu.memory_space<vmem>>
          %dma_wait3A_280 = tpu.memref_squeeze %dma_wait3A_279 : memref<1x64xi32, #tpu.memory_space<vmem>> -> memref<64xi32, #tpu.memory_space<vmem>>
          %dma_wait3A_281 = arith.constant 0 : i32
          %dma_wait3A_282 = tpu.memref_slice %arg3[%add3A_225, %dma_wait3A_281] : memref<3136x64xi32, #tpu.memory_space<hbm>> -> memref<1x64xi32, #tpu.memory_space<hbm>>
          %dma_wait3A_283 = tpu.memref_squeeze %dma_wait3A_282 : memref<1x64xi32, #tpu.memory_space<hbm>> -> memref<64xi32, #tpu.memory_space<hbm>>
          %dma_wait3A_284 = arith.constant 0 : i32
          %dma_wait3A_285 = tpu.memref_slice %arg7[%run_scoped3A_226, %dma_wait3A_284] : memref<2x64xi32, #tpu.memory_space<vmem>> -> memref<1x64xi32, #tpu.memory_space<vmem>>
          %dma_wait3A_286 = tpu.memref_squeeze %dma_wait3A_285 : memref<1x64xi32, #tpu.memory_space<vmem>> -> memref<64xi32, #tpu.memory_space<vmem>>
          %dma_wait3A_287 = arith.constant 0 : i32
          %dma_wait3A_288 = tpu.memref_slice %arg3[%add3A_225, %dma_wait3A_287] : memref<3136x64xi32, #tpu.memory_space<hbm>> -> memref<1x64xi32, #tpu.memory_space<hbm>>
          %dma_wait3A_289 = tpu.memref_squeeze %dma_wait3A_288 : memref<1x64xi32, #tpu.memory_space<hbm>> -> memref<64xi32, #tpu.memory_space<hbm>>
          tpu.wait_dma2 semaphore(%run_scoped3A_265 : memref<!tpu.dma_semaphore, #tpu.memory_space<semaphore_mem>>) src(%dma_wait3A_289 : memref<64xi32, #tpu.memory_space<hbm>>) dst(%dma_wait3A_286 : memref<64xi32, #tpu.memory_space<vmem>>)
          tpu.yield
        }) : () -> ()
        %run_scoped3A_227 = arith.constant 0 : i32
        "tpu.region"() ({
          %run_scoped3A_265 = tpu.sem_alloc : memref<!tpu.dma_semaphore, #tpu.memory_space<semaphore_mem>>
          %dma_start3A_266 = arith.constant 0 : i32
          %dma_start3A_267 = tpu.memref_slice %arg8[%run_scoped3A_227, %dma_start3A_266] : memref<2x64xi32, #tpu.memory_space<vmem>> -> memref<1x64xi32, #tpu.memory_space<vmem>>
          %dma_start3A_268 = tpu.memref_squeeze %dma_start3A_267 : memref<1x64xi32, #tpu.memory_space<vmem>> -> memref<64xi32, #tpu.memory_space<vmem>>
          %dma_start3A_269 = arith.constant 0 : i32
          %dma_start3A_270 = tpu.memref_slice %arg4[%add3A_225, %dma_start3A_269] : memref<3136x64xi32, #tpu.memory_space<hbm>> -> memref<1x64xi32, #tpu.memory_space<hbm>>
          %dma_start3A_271 = tpu.memref_squeeze %dma_start3A_270 : memref<1x64xi32, #tpu.memory_space<hbm>> -> memref<64xi32, #tpu.memory_space<hbm>>
          %dma_start3A_272 = arith.constant 0 : i32
          %dma_start3A_273 = tpu.memref_slice %arg8[%run_scoped3A_227, %dma_start3A_272] : memref<2x64xi32, #tpu.memory_space<vmem>> -> memref<1x64xi32, #tpu.memory_space<vmem>>
          %dma_start3A_274 = tpu.memref_squeeze %dma_start3A_273 : memref<1x64xi32, #tpu.memory_space<vmem>> -> memref<64xi32, #tpu.memory_space<vmem>>
          %dma_start3A_275 = arith.constant 0 : i32
          %dma_start3A_276 = tpu.memref_slice %arg4[%add3A_225, %dma_start3A_275] : memref<3136x64xi32, #tpu.memory_space<hbm>> -> memref<1x64xi32, #tpu.memory_space<hbm>>
          %dma_start3A_277 = tpu.memref_squeeze %dma_start3A_276 : memref<1x64xi32, #tpu.memory_space<hbm>> -> memref<64xi32, #tpu.memory_space<hbm>>
          tpu.enqueue_dma source(%dma_start3A_277 : memref<64xi32, #tpu.memory_space<hbm>>) target(%dma_start3A_274 : memref<64xi32, #tpu.memory_space<vmem>>) target_semaphore(%run_scoped3A_265 : memref<!tpu.dma_semaphore, #tpu.memory_space<semaphore_mem>>)
          %dma_wait3A_278 = arith.constant 0 : i32
          %dma_wait3A_279 = tpu.memref_slice %arg8[%run_scoped3A_227, %dma_wait3A_278] : memref<2x64xi32, #tpu.memory_space<vmem>> -> memref<1x64xi32, #tpu.memory_space<vmem>>
          %dma_wait3A_280 = tpu.memref_squeeze %dma_wait3A_279 : memref<1x64xi32, #tpu.memory_space<vmem>> -> memref<64xi32, #tpu.memory_space<vmem>>
          %dma_wait3A_281 = arith.constant 0 : i32
          %dma_wait3A_282 = tpu.memref_slice %arg4[%add3A_225, %dma_wait3A_281] : memref<3136x64xi32, #tpu.memory_space<hbm>> -> memref<1x64xi32, #tpu.memory_space<hbm>>
          %dma_wait3A_283 = tpu.memref_squeeze %dma_wait3A_282 : memref<1x64xi32, #tpu.memory_space<hbm>> -> memref<64xi32, #tpu.memory_space<hbm>>
          %dma_wait3A_284 = arith.constant 0 : i32
          %dma_wait3A_285 = tpu.memref_slice %arg8[%run_scoped3A_227, %dma_wait3A_284] : memref<2x64xi32, #tpu.memory_space<vmem>> -> memref<1x64xi32, #tpu.memory_space<vmem>>
          %dma_wait3A_286 = tpu.memref_squeeze %dma_wait3A_285 : memref<1x64xi32, #tpu.memory_space<vmem>> -> memref<64xi32, #tpu.memory_space<vmem>>
          %dma_wait3A_287 = arith.constant 0 : i32
          %dma_wait3A_288 = tpu.memref_slice %arg4[%add3A_225, %dma_wait3A_287] : memref<3136x64xi32, #tpu.memory_space<hbm>> -> memref<1x64xi32, #tpu.memory_space<hbm>>
          %dma_wait3A_289 = tpu.memref_squeeze %dma_wait3A_288 : memref<1x64xi32, #tpu.memory_space<hbm>> -> memref<64xi32, #tpu.memory_space<hbm>>
          tpu.wait_dma2 semaphore(%run_scoped3A_265 : memref<!tpu.dma_semaphore, #tpu.memory_space<semaphore_mem>>) src(%dma_wait3A_289 : memref<64xi32, #tpu.memory_space<hbm>>) dst(%dma_wait3A_286 : memref<64xi32, #tpu.memory_space<vmem>>)
          tpu.yield
        }) : () -> ()
        %run_scoped3A_228 = arith.constant 0 : i32
        "tpu.region"() ({
          %run_scoped3A_265 = tpu.sem_alloc : memref<!tpu.dma_semaphore, #tpu.memory_space<semaphore_mem>>
          %dma_start3A_266 = arith.constant 0 : i32
          %dma_start3A_267 = tpu.memref_slice %arg9[%run_scoped3A_228, %dma_start3A_266] : memref<2x64xi32, #tpu.memory_space<vmem>> -> memref<1x64xi32, #tpu.memory_space<vmem>>
          %dma_start3A_268 = tpu.memref_squeeze %dma_start3A_267 : memref<1x64xi32, #tpu.memory_space<vmem>> -> memref<64xi32, #tpu.memory_space<vmem>>
          %dma_start3A_269 = arith.constant 0 : i32
          %dma_start3A_270 = tpu.memref_slice %arg5[%add3A_225, %dma_start3A_269] : memref<3136x64xi32, #tpu.memory_space<hbm>> -> memref<1x64xi32, #tpu.memory_space<hbm>>
          %dma_start3A_271 = tpu.memref_squeeze %dma_start3A_270 : memref<1x64xi32, #tpu.memory_space<hbm>> -> memref<64xi32, #tpu.memory_space<hbm>>
          %dma_start3A_272 = arith.constant 0 : i32
          %dma_start3A_273 = tpu.memref_slice %arg9[%run_scoped3A_228, %dma_start3A_272] : memref<2x64xi32, #tpu.memory_space<vmem>> -> memref<1x64xi32, #tpu.memory_space<vmem>>
          %dma_start3A_274 = tpu.memref_squeeze %dma_start3A_273 : memref<1x64xi32, #tpu.memory_space<vmem>> -> memref<64xi32, #tpu.memory_space<vmem>>
          %dma_start3A_275 = arith.constant 0 : i32
          %dma_start3A_276 = tpu.memref_slice %arg5[%add3A_225, %dma_start3A_275] : memref<3136x64xi32, #tpu.memory_space<hbm>> -> memref<1x64xi32, #tpu.memory_space<hbm>>
          %dma_start3A_277 = tpu.memref_squeeze %dma_start3A_276 : memref<1x64xi32, #tpu.memory_space<hbm>> -> memref<64xi32, #tpu.memory_space<hbm>>
          tpu.enqueue_dma source(%dma_start3A_277 : memref<64xi32, #tpu.memory_space<hbm>>) target(%dma_start3A_274 : memref<64xi32, #tpu.memory_space<vmem>>) target_semaphore(%run_scoped3A_265 : memref<!tpu.dma_semaphore, #tpu.memory_space<semaphore_mem>>)
          %dma_wait3A_278 = arith.constant 0 : i32
          %dma_wait3A_279 = tpu.memref_slice %arg9[%run_scoped3A_228, %dma_wait3A_278] : memref<2x64xi32, #tpu.memory_space<vmem>> -> memref<1x64xi32, #tpu.memory_space<vmem>>
          %dma_wait3A_280 = tpu.memref_squeeze %dma_wait3A_279 : memref<1x64xi32, #tpu.memory_space<vmem>> -> memref<64xi32, #tpu.memory_space<vmem>>
          %dma_wait3A_281 = arith.constant 0 : i32
          %dma_wait3A_282 = tpu.memref_slice %arg5[%add3A_225, %dma_wait3A_281] : memref<3136x64xi32, #tpu.memory_space<hbm>> -> memref<1x64xi32, #tpu.memory_space<hbm>>
          %dma_wait3A_283 = tpu.memref_squeeze %dma_wait3A_282 : memref<1x64xi32, #tpu.memory_space<hbm>> -> memref<64xi32, #tpu.memory_space<hbm>>
          %dma_wait3A_284 = arith.constant 0 : i32
          %dma_wait3A_285 = tpu.memref_slice %arg9[%run_scoped3A_228, %dma_wait3A_284] : memref<2x64xi32, #tpu.memory_space<vmem>> -> memref<1x64xi32, #tpu.memory_space<vmem>>
          %dma_wait3A_286 = tpu.memref_squeeze %dma_wait3A_285 : memref<1x64xi32, #tpu.memory_space<vmem>> -> memref<64xi32, #tpu.memory_space<vmem>>
          %dma_wait3A_287 = arith.constant 0 : i32
          %dma_wait3A_288 = tpu.memref_slice %arg5[%add3A_225, %dma_wait3A_287] : memref<3136x64xi32, #tpu.memory_space<hbm>> -> memref<1x64xi32, #tpu.memory_space<hbm>>
          %dma_wait3A_289 = tpu.memref_squeeze %dma_wait3A_288 : memref<1x64xi32, #tpu.memory_space<hbm>> -> memref<64xi32, #tpu.memory_space<hbm>>
          tpu.wait_dma2 semaphore(%run_scoped3A_265 : memref<!tpu.dma_semaphore, #tpu.memory_space<semaphore_mem>>) src(%dma_wait3A_289 : memref<64xi32, #tpu.memory_space<hbm>>) dst(%dma_wait3A_286 : memref<64xi32, #tpu.memory_space<vmem>>)
          tpu.yield
        }) : () -> ()
        %dma_start3A_229 = arith.constant 0 : i32
        %dma_start3A_230 = arith.constant 0 : i32
        %dma_start3A_231 = arith.constant 0 : i32
        %dma_start3A_232 = arith.constant 0 : i32
        %dma_start3A_233 = tpu.memref_slice %arg10[%dma_start3A_230, %dma_start3A_231, %dma_start3A_232] : memref<2x64x128xf32, #tpu.memory_space<vmem>> -> memref<1x64x128xf32, #tpu.memory_space<vmem>>
        %dma_start3A_234 = tpu.memref_squeeze %dma_start3A_233 : memref<1x64x128xf32, #tpu.memory_space<vmem>> -> memref<64x128xf32, #tpu.memory_space<vmem>>
        %dma_start3A_235 = arith.constant 0 : i32
        %dma_start3A_236 = tpu.memref_slice %arg7[%dma_start3A_229, %dma_start3A_235] : memref<2x64xi32, #tpu.memory_space<vmem>> -> memref<1x64xi32, #tpu.memory_space<vmem>>
        %dma_start3A_237 = tpu.memref_squeeze %dma_start3A_236 : memref<1x64xi32, #tpu.memory_space<vmem>> -> memref<64xi32, #tpu.memory_space<vmem>>
        %dma_start3A_238 = arith.constant 0 : i32
        %dma_start3A_239 = arith.constant 0 : i32
        %dma_start3A_240 = tpu.memref_slice %arg2[%dma_start3A_238, %dma_start3A_239] : memref<100000x128xf32, #tpu.memory_space<hbm>> -> memref<100000x128xf32, #tpu.memory_space<hbm>>
        tpu.enqueue_indirect_dma source(%dma_start3A_240 : memref<100000x128xf32, #tpu.memory_space<hbm>>) target(%dma_start3A_234 : memref<64x128xf32, #tpu.memory_space<vmem>>) offsets(%dma_start3A_237 : memref<64xi32, #tpu.memory_space<vmem>>) semaphore(%arg14 : memref<!tpu.dma_semaphore, #tpu.memory_space<semaphore_mem>>)
        %dma_start3A_241 = arith.constant 0 : i32
        %dma_start3A_242 = arith.constant 0 : i32
        %dma_start3A_243 = arith.constant 0 : i32
        %dma_start3A_244 = arith.constant 0 : i32
        %dma_start3A_245 = tpu.memref_slice %arg11[%dma_start3A_242, %dma_start3A_243, %dma_start3A_244] : memref<2x64x128xf32, #tpu.memory_space<vmem>> -> memref<1x64x128xf32, #tpu.memory_space<vmem>>
        %dma_start3A_246 = tpu.memref_squeeze %dma_start3A_245 : memref<1x64x128xf32, #tpu.memory_space<vmem>> -> memref<64x128xf32, #tpu.memory_space<vmem>>
        %dma_start3A_247 = arith.constant 0 : i32
        %dma_start3A_248 = tpu.memref_slice %arg8[%dma_start3A_241, %dma_start3A_247] : memref<2x64xi32, #tpu.memory_space<vmem>> -> memref<1x64xi32, #tpu.memory_space<vmem>>
        %dma_start3A_249 = tpu.memref_squeeze %dma_start3A_248 : memref<1x64xi32, #tpu.memory_space<vmem>> -> memref<64xi32, #tpu.memory_space<vmem>>
        %dma_start3A_250 = arith.constant 0 : i32
        %dma_start3A_251 = arith.constant 0 : i32
        %dma_start3A_252 = tpu.memref_slice %arg2[%dma_start3A_250, %dma_start3A_251] : memref<100000x128xf32, #tpu.memory_space<hbm>> -> memref<100000x128xf32, #tpu.memory_space<hbm>>
        tpu.enqueue_indirect_dma source(%dma_start3A_252 : memref<100000x128xf32, #tpu.memory_space<hbm>>) target(%dma_start3A_246 : memref<64x128xf32, #tpu.memory_space<vmem>>) offsets(%dma_start3A_249 : memref<64xi32, #tpu.memory_space<vmem>>) semaphore(%arg14 : memref<!tpu.dma_semaphore, #tpu.memory_space<semaphore_mem>>)
        %dma_start3A_253 = arith.constant 0 : i32
        %dma_start3A_254 = arith.constant 0 : i32
        %dma_start3A_255 = arith.constant 0 : i32
        %dma_start3A_256 = arith.constant 0 : i32
        %dma_start3A_257 = tpu.memref_slice %arg12[%dma_start3A_254, %dma_start3A_255, %dma_start3A_256] : memref<2x64x128xf32, #tpu.memory_space<vmem>> -> memref<1x64x128xf32, #tpu.memory_space<vmem>>
        %dma_start3A_258 = tpu.memref_squeeze %dma_start3A_257 : memref<1x64x128xf32, #tpu.memory_space<vmem>> -> memref<64x128xf32, #tpu.memory_space<vmem>>
        %dma_start3A_259 = arith.constant 0 : i32
        %dma_start3A_260 = tpu.memref_slice %arg9[%dma_start3A_253, %dma_start3A_259] : memref<2x64xi32, #tpu.memory_space<vmem>> -> memref<1x64xi32, #tpu.memory_space<vmem>>
        %dma_start3A_261 = tpu.memref_squeeze %dma_start3A_260 : memref<1x64xi32, #tpu.memory_space<vmem>> -> memref<64xi32, #tpu.memory_space<vmem>>
        %dma_start3A_262 = arith.constant 0 : i32
        %dma_start3A_263 = arith.constant 0 : i32
        %dma_start3A_264 = tpu.memref_slice %arg2[%dma_start3A_262, %dma_start3A_263] : memref<100000x128xf32, #tpu.memory_space<hbm>> -> memref<100000x128xf32, #tpu.memory_space<hbm>>
        tpu.enqueue_indirect_dma source(%dma_start3A_264 : memref<100000x128xf32, #tpu.memory_space<hbm>>) target(%dma_start3A_258 : memref<64x128xf32, #tpu.memory_space<vmem>>) offsets(%dma_start3A_261 : memref<64xi32, #tpu.memory_space<vmem>>) semaphore(%arg14 : memref<!tpu.dma_semaphore, #tpu.memory_space<semaphore_mem>>)
      } else {
      }
      %dma_wait3A_159 = arith.constant 1 : i32
      %dma_wait3A_160 = arith.constant 1 : i32
      %dma_wait3A_161 = arith.constant 0 : i32
      %dma_wait3A_162 = arith.constant 0 : i32
      %dma_wait3A_163 = tpu.memref_slice %arg10[%dma_wait3A_160, %dma_wait3A_161, %dma_wait3A_162] : memref<2x64x128xf32, #tpu.memory_space<vmem>> -> memref<1x64x128xf32, #tpu.memory_space<vmem>>
      %dma_wait3A_164 = tpu.memref_squeeze %dma_wait3A_163 : memref<1x64x128xf32, #tpu.memory_space<vmem>> -> memref<64x128xf32, #tpu.memory_space<vmem>>
      %dma_wait3A_165 = arith.constant 0 : i32
      %dma_wait3A_166 = tpu.memref_slice %arg7[%dma_wait3A_159, %dma_wait3A_165] : memref<2x64xi32, #tpu.memory_space<vmem>> -> memref<1x64xi32, #tpu.memory_space<vmem>>
      %dma_wait3A_167 = tpu.memref_squeeze %dma_wait3A_166 : memref<1x64xi32, #tpu.memory_space<vmem>> -> memref<64xi32, #tpu.memory_space<vmem>>
      %dma_wait3A_168 = arith.constant 0 : i32
      %dma_wait3A_169 = arith.constant 0 : i32
      %dma_wait3A_170 = tpu.memref_slice %arg2[%dma_wait3A_168, %dma_wait3A_169] : memref<100000x128xf32, #tpu.memory_space<hbm>> -> memref<100000x128xf32, #tpu.memory_space<hbm>>
      tpu.wait_indirect_dma semaphore(%arg15 : memref<!tpu.dma_semaphore, #tpu.memory_space<semaphore_mem>>) src(%dma_wait3A_170 : memref<100000x128xf32, #tpu.memory_space<hbm>>) dst(%dma_wait3A_164 : memref<64x128xf32, #tpu.memory_space<vmem>>)
      %dma_wait3A_171 = arith.constant 1 : i32
      %dma_wait3A_172 = arith.constant 1 : i32
      %dma_wait3A_173 = arith.constant 0 : i32
      %dma_wait3A_174 = arith.constant 0 : i32
      %dma_wait3A_175 = tpu.memref_slice %arg11[%dma_wait3A_172, %dma_wait3A_173, %dma_wait3A_174] : memref<2x64x128xf32, #tpu.memory_space<vmem>> -> memref<1x64x128xf32, #tpu.memory_space<vmem>>
      %dma_wait3A_176 = tpu.memref_squeeze %dma_wait3A_175 : memref<1x64x128xf32, #tpu.memory_space<vmem>> -> memref<64x128xf32, #tpu.memory_space<vmem>>
      %dma_wait3A_177 = arith.constant 0 : i32
      %dma_wait3A_178 = tpu.memref_slice %arg7[%dma_wait3A_171, %dma_wait3A_177] : memref<2x64xi32, #tpu.memory_space<vmem>> -> memref<1x64xi32, #tpu.memory_space<vmem>>
      %dma_wait3A_179 = tpu.memref_squeeze %dma_wait3A_178 : memref<1x64xi32, #tpu.memory_space<vmem>> -> memref<64xi32, #tpu.memory_space<vmem>>
      %dma_wait3A_180 = arith.constant 0 : i32
      %dma_wait3A_181 = arith.constant 0 : i32
      %dma_wait3A_182 = tpu.memref_slice %arg2[%dma_wait3A_180, %dma_wait3A_181] : memref<100000x128xf32, #tpu.memory_space<hbm>> -> memref<100000x128xf32, #tpu.memory_space<hbm>>
      tpu.wait_indirect_dma semaphore(%arg15 : memref<!tpu.dma_semaphore, #tpu.memory_space<semaphore_mem>>) src(%dma_wait3A_182 : memref<100000x128xf32, #tpu.memory_space<hbm>>) dst(%dma_wait3A_176 : memref<64x128xf32, #tpu.memory_space<vmem>>)
      %dma_wait3A_183 = arith.constant 1 : i32
      %dma_wait3A_184 = arith.constant 1 : i32
      %dma_wait3A_185 = arith.constant 0 : i32
      %dma_wait3A_186 = arith.constant 0 : i32
      %dma_wait3A_187 = tpu.memref_slice %arg12[%dma_wait3A_184, %dma_wait3A_185, %dma_wait3A_186] : memref<2x64x128xf32, #tpu.memory_space<vmem>> -> memref<1x64x128xf32, #tpu.memory_space<vmem>>
      %dma_wait3A_188 = tpu.memref_squeeze %dma_wait3A_187 : memref<1x64x128xf32, #tpu.memory_space<vmem>> -> memref<64x128xf32, #tpu.memory_space<vmem>>
      %dma_wait3A_189 = arith.constant 0 : i32
      %dma_wait3A_190 = tpu.memref_slice %arg7[%dma_wait3A_183, %dma_wait3A_189] : memref<2x64xi32, #tpu.memory_space<vmem>> -> memref<1x64xi32, #tpu.memory_space<vmem>>
      %dma_wait3A_191 = tpu.memref_squeeze %dma_wait3A_190 : memref<1x64xi32, #tpu.memory_space<vmem>> -> memref<64xi32, #tpu.memory_space<vmem>>
      %dma_wait3A_192 = arith.constant 0 : i32
      %dma_wait3A_193 = arith.constant 0 : i32
      %dma_wait3A_194 = tpu.memref_slice %arg2[%dma_wait3A_192, %dma_wait3A_193] : memref<100000x128xf32, #tpu.memory_space<hbm>> -> memref<100000x128xf32, #tpu.memory_space<hbm>>
      tpu.wait_indirect_dma semaphore(%arg15 : memref<!tpu.dma_semaphore, #tpu.memory_space<semaphore_mem>>) src(%dma_wait3A_194 : memref<100000x128xf32, #tpu.memory_space<hbm>>) dst(%dma_wait3A_188 : memref<64x128xf32, #tpu.memory_space<vmem>>)
      %scan3A_195 = arith.constant 0 : i32
      %scan3A_196 = arith.constant 0 : i32
      %scan3A_197 = arith.constant 64 : i32
      %scan3A_198 = arith.addi %scan3A_196, %scan3A_197 : i32
      %scan3A_199 = arith.constant 1 : i32
      %scan3A_200 = scf.for %scan3A_223 = %scan3A_196 to %scan3A_198 step %scan3A_199 iter_args(%scan3A_224 = %scan3A_195) -> (i32)  : i32 {
        %get3A = arith.constant 1 : i32
        %get3A_225 = arith.index_cast %get3A : i32 to index
        %get3A_226 = arith.index_cast %scan3A_223 : i32 to index
        %get3A_227 = arith.constant 0 : index
        %get3A_228 = tpu.vector_load %arg10[%get3A_225, %get3A_226, %get3A_227] {strides = array<i32>} : memref<2x64x128xf32, #tpu.memory_space<vmem>>, vector<1x1x16xf32>,
        %get3A_229 = vector.shape_cast %get3A_228 : vector<1x1x16xf32> to vector<16xf32>
        %get3A_230 = arith.constant 1 : i32
        %get3A_231 = arith.index_cast %get3A_230 : i32 to index
        %get3A_232 = arith.index_cast %scan3A_223 : i32 to index
        %get3A_233 = arith.constant 0 : index
        %get3A_234 = tpu.vector_load %arg11[%get3A_231, %get3A_232, %get3A_233] {strides = array<i32>} : memref<2x64x128xf32, #tpu.memory_space<vmem>>, vector<1x1x16xf32>,
        %get3A_235 = vector.shape_cast %get3A_234 : vector<1x1x16xf32> to vector<16xf32>
        %add3A_236 = arith.addf %get3A_229, %get3A_235 : vector<16xf32>
        %get3A_237 = arith.constant 1 : i32
        %get3A_238 = arith.index_cast %get3A_237 : i32 to index
        %get3A_239 = arith.index_cast %scan3A_223 : i32 to index
        %get3A_240 = arith.constant 0 : index
        %get3A_241 = tpu.vector_load %arg12[%get3A_238, %get3A_239, %get3A_240] {strides = array<i32>} : memref<2x64x128xf32, #tpu.memory_space<vmem>>, vector<1x1x16xf32>,
        %get3A_242 = vector.shape_cast %get3A_241 : vector<1x1x16xf32> to vector<16xf32>
        %add3A_243 = arith.addf %add3A_236, %get3A_242 : vector<16xf32>
        %mul3A_244 = arith.constant 0.333333343 : f32
        %mul3A_245 = vector.broadcast %mul3A_244 : f32 to vector<16xf32>
        %mul3A_246 = arith.mulf %add3A_243, %mul3A_245 : vector<16xf32>
        %swap3A = arith.constant 1 : i32
        %swap3A_247 = arith.index_cast %swap3A : i32 to index
        %swap3A_248 = arith.index_cast %scan3A_223 : i32 to index
        %swap3A_249 = arith.constant 0 : index
        %swap3A_250 = tpu.vector_load %arg13[%swap3A_247, %swap3A_248, %swap3A_249] {strides = array<i32>} : memref<2x64x128xf32, #tpu.memory_space<vmem>>, vector<1x1x16xf32>,
        %swap3A_251 = vector.shape_cast %swap3A_250 : vector<1x1x16xf32> to vector<16xf32>
        %swap3A_252 = vector.shape_cast %mul3A_246 : vector<16xf32> to vector<1x1x16xf32>
        tpu.vector_store %arg13[%swap3A_247, %swap3A_248, %swap3A_249], %swap3A_252 {strides = array<i32>} : memref<2x64x128xf32, #tpu.memory_space<vmem>>, vector<1x1x16xf32>,
        %get3A_253 = arith.constant 1 : i32
        %get3A_254 = arith.index_cast %get3A_253 : i32 to index
        %get3A_255 = arith.index_cast %scan3A_223 : i32 to index
        %get3A_256 = arith.constant 16 : index
        %get3A_257 = tpu.vector_load %arg10[%get3A_254, %get3A_255, %get3A_256] {strides = array<i32>} : memref<2x64x128xf32, #tpu.memory_space<vmem>>, vector<1x1x16xf32>,
        %get3A_258 = vector.shape_cast %get3A_257 : vector<1x1x16xf32> to vector<16xf32>
        %get3A_259 = arith.constant 1 : i32
        %get3A_260 = arith.index_cast %get3A_259 : i32 to index
        %get3A_261 = arith.index_cast %scan3A_223 : i32 to index
        %get3A_262 = arith.constant 16 : index
        %get3A_263 = tpu.vector_load %arg11[%get3A_260, %get3A_261, %get3A_262] {strides = array<i32>} : memref<2x64x128xf32, #tpu.memory_space<vmem>>, vector<1x1x16xf32>,
        %get3A_264 = vector.shape_cast %get3A_263 : vector<1x1x16xf32> to vector<16xf32>
        %add3A_265 = arith.addf %get3A_258, %get3A_264 : vector<16xf32>
        %get3A_266 = arith.constant 1 : i32
        %get3A_267 = arith.index_cast %get3A_266 : i32 to index
        %get3A_268 = arith.index_cast %scan3A_223 : i32 to index
        %get3A_269 = arith.constant 16 : index
        %get3A_270 = tpu.vector_load %arg12[%get3A_267, %get3A_268, %get3A_269] {strides = array<i32>} : memref<2x64x128xf32, #tpu.memory_space<vmem>>, vector<1x1x16xf32>,
        %get3A_271 = vector.shape_cast %get3A_270 : vector<1x1x16xf32> to vector<16xf32>
        %add3A_272 = arith.addf %add3A_265, %get3A_271 : vector<16xf32>
        %mul3A_273 = arith.constant 0.333333343 : f32
        %mul3A_274 = vector.broadcast %mul3A_273 : f32 to vector<16xf32>
        %mul3A_275 = arith.mulf %add3A_272, %mul3A_274 : vector<16xf32>
        %swap3A_276 = arith.constant 1 : i32
        %swap3A_277 = arith.index_cast %swap3A_276 : i32 to index
        %swap3A_278 = arith.index_cast %scan3A_223 : i32 to index
        %swap3A_279 = arith.constant 16 : index
        %swap3A_280 = tpu.vector_load %arg13[%swap3A_277, %swap3A_278, %swap3A_279] {strides = array<i32>} : memref<2x64x128xf32, #tpu.memory_space<vmem>>, vector<1x1x16xf32>,
        %swap3A_281 = vector.shape_cast %swap3A_280 : vector<1x1x16xf32> to vector<16xf32>
        %swap3A_282 = vector.shape_cast %mul3A_275 : vector<16xf32> to vector<1x1x16xf32>
        tpu.vector_store %arg13[%swap3A_277, %swap3A_278, %swap3A_279], %swap3A_282 {strides = array<i32>} : memref<2x64x128xf32, #tpu.memory_space<vmem>>, vector<1x1x16xf32>,
        %get3A_283 = arith.constant 1 : i32
        %get3A_284 = arith.index_cast %get3A_283 : i32 to index
        %get3A_285 = arith.index_cast %scan3A_223 : i32 to index
        %get3A_286 = arith.constant 32 : index
        %get3A_287 = tpu.vector_load %arg10[%get3A_284, %get3A_285, %get3A_286] {strides = array<i32>} : memref<2x64x128xf32, #tpu.memory_space<vmem>>, vector<1x1x16xf32>,
        %get3A_288 = vector.shape_cast %get3A_287 : vector<1x1x16xf32> to vector<16xf32>
        %get3A_289 = arith.constant 1 : i32
        %get3A_290 = arith.index_cast %get3A_289 : i32 to index
        %get3A_291 = arith.index_cast %scan3A_223 : i32 to index
        %get3A_292 = arith.constant 32 : index
        %get3A_293 = tpu.vector_load %arg11[%get3A_290, %get3A_291, %get3A_292] {strides = array<i32>} : memref<2x64x128xf32, #tpu.memory_space<vmem>>, vector<1x1x16xf32>,
        %get3A_294 = vector.shape_cast %get3A_293 : vector<1x1x16xf32> to vector<16xf32>
        %add3A_295 = arith.addf %get3A_288, %get3A_294 : vector<16xf32>
        %get3A_296 = arith.constant 1 : i32
        %get3A_297 = arith.index_cast %get3A_296 : i32 to index
        %get3A_298 = arith.index_cast %scan3A_223 : i32 to index
        %get3A_299 = arith.constant 32 : index
        %get3A_300 = tpu.vector_load %arg12[%get3A_297, %get3A_298, %get3A_299] {strides = array<i32>} : memref<2x64x128xf32, #tpu.memory_space<vmem>>, vector<1x1x16xf32>,
        %get3A_301 = vector.shape_cast %get3A_300 : vector<1x1x16xf32> to vector<16xf32>
        %add3A_302 = arith.addf %add3A_295, %get3A_301 : vector<16xf32>
        %mul3A_303 = arith.constant 0.333333343 : f32
        %mul3A_304 = vector.broadcast %mul3A_303 : f32 to vector<16xf32>
        %mul3A_305 = arith.mulf %add3A_302, %mul3A_304 : vector<16xf32>
        %swap3A_306 = arith.constant 1 : i32
        %swap3A_307 = arith.index_cast %swap3A_306 : i32 to index
        %swap3A_308 = arith.index_cast %scan3A_223 : i32 to index
        %swap3A_309 = arith.constant 32 : index
        %swap3A_310 = tpu.vector_load %arg13[%swap3A_307, %swap3A_308, %swap3A_309] {strides = array<i32>} : memref<2x64x128xf32, #tpu.memory_space<vmem>>, vector<1x1x16xf32>,
        %swap3A_311 = vector.shape_cast %swap3A_310 : vector<1x1x16xf32> to vector<16xf32>
        %swap3A_312 = vector.shape_cast %mul3A_305 : vector<16xf32> to vector<1x1x16xf32>
        tpu.vector_store %arg13[%swap3A_307, %swap3A_308, %swap3A_309], %swap3A_312 {strides = array<i32>} : memref<2x64x128xf32, #tpu.memory_space<vmem>>, vector<1x1x16xf32>,
        %get3A_313 = arith.constant 1 : i32
        %get3A_314 = arith.index_cast %get3A_313 : i32 to index
        %get3A_315 = arith.index_cast %scan3A_223 : i32 to index
        %get3A_316 = arith.constant 48 : index
        %get3A_317 = tpu.vector_load %arg10[%get3A_314, %get3A_315, %get3A_316] {strides = array<i32>} : memref<2x64x128xf32, #tpu.memory_space<vmem>>, vector<1x1x16xf32>,
        %get3A_318 = vector.shape_cast %get3A_317 : vector<1x1x16xf32> to vector<16xf32>
        %get3A_319 = arith.constant 1 : i32
        %get3A_320 = arith.index_cast %get3A_319 : i32 to index
        %get3A_321 = arith.index_cast %scan3A_223 : i32 to index
        %get3A_322 = arith.constant 48 : index
        %get3A_323 = tpu.vector_load %arg11[%get3A_320, %get3A_321, %get3A_322] {strides = array<i32>} : memref<2x64x128xf32, #tpu.memory_space<vmem>>, vector<1x1x16xf32>,
        %get3A_324 = vector.shape_cast %get3A_323 : vector<1x1x16xf32> to vector<16xf32>
        %add3A_325 = arith.addf %get3A_318, %get3A_324 : vector<16xf32>
        %get3A_326 = arith.constant 1 : i32
        %get3A_327 = arith.index_cast %get3A_326 : i32 to index
        %get3A_328 = arith.index_cast %scan3A_223 : i32 to index
        %get3A_329 = arith.constant 48 : index
        %get3A_330 = tpu.vector_load %arg12[%get3A_327, %get3A_328, %get3A_329] {strides = array<i32>} : memref<2x64x128xf32, #tpu.memory_space<vmem>>, vector<1x1x16xf32>,
        %get3A_331 = vector.shape_cast %get3A_330 : vector<1x1x16xf32> to vector<16xf32>
        %add3A_332 = arith.addf %add3A_325, %get3A_331 : vector<16xf32>
        %mul3A_333 = arith.constant 0.333333343 : f32
        %mul3A_334 = vector.broadcast %mul3A_333 : f32 to vector<16xf32>
        %mul3A_335 = arith.mulf %add3A_332, %mul3A_334 : vector<16xf32>
        %swap3A_336 = arith.constant 1 : i32
        %swap3A_337 = arith.index_cast %swap3A_336 : i32 to index
        %swap3A_338 = arith.index_cast %scan3A_223 : i32 to index
        %swap3A_339 = arith.constant 48 : index
        %swap3A_340 = tpu.vector_load %arg13[%swap3A_337, %swap3A_338, %swap3A_339] {strides = array<i32>} : memref<2x64x128xf32, #tpu.memory_space<vmem>>, vector<1x1x16xf32>,
        %swap3A_341 = vector.shape_cast %swap3A_340 : vector<1x1x16xf32> to vector<16xf32>
        %swap3A_342 = vector.shape_cast %mul3A_335 : vector<16xf32> to vector<1x1x16xf32>
        tpu.vector_store %arg13[%swap3A_337, %swap3A_338, %swap3A_339], %swap3A_342 {strides = array<i32>} : memref<2x64x128xf32, #tpu.memory_space<vmem>>, vector<1x1x16xf32>,
        %get3A_343 = arith.constant 1 : i32
        %get3A_344 = arith.index_cast %get3A_343 : i32 to index
        %get3A_345 = arith.index_cast %scan3A_223 : i32 to index
        %get3A_346 = arith.constant 64 : index
        %get3A_347 = tpu.vector_load %arg10[%get3A_344, %get3A_345, %get3A_346] {strides = array<i32>} : memref<2x64x128xf32, #tpu.memory_space<vmem>>, vector<1x1x16xf32>,
        %get3A_348 = vector.shape_cast %get3A_347 : vector<1x1x16xf32> to vector<16xf32>
        %get3A_349 = arith.constant 1 : i32
        %get3A_350 = arith.index_cast %get3A_349 : i32 to index
        %get3A_351 = arith.index_cast %scan3A_223 : i32 to index
        %get3A_352 = arith.constant 64 : index
        %get3A_353 = tpu.vector_load %arg11[%get3A_350, %get3A_351, %get3A_352] {strides = array<i32>} : memref<2x64x128xf32, #tpu.memory_space<vmem>>, vector<1x1x16xf32>,
        %get3A_354 = vector.shape_cast %get3A_353 : vector<1x1x16xf32> to vector<16xf32>
        %add3A_355 = arith.addf %get3A_348, %get3A_354 : vector<16xf32>
        %get3A_356 = arith.constant 1 : i32
        %get3A_357 = arith.index_cast %get3A_356 : i32 to index
        %get3A_358 = arith.index_cast %scan3A_223 : i32 to index
        %get3A_359 = arith.constant 64 : index
        %get3A_360 = tpu.vector_load %arg12[%get3A_357, %get3A_358, %get3A_359] {strides = array<i32>} : memref<2x64x128xf32, #tpu.memory_space<vmem>>, vector<1x1x16xf32>,
        %get3A_361 = vector.shape_cast %get3A_360 : vector<1x1x16xf32> to vector<16xf32>
        %add3A_362 = arith.addf %add3A_355, %get3A_361 : vector<16xf32>
        %mul3A_363 = arith.constant 0.333333343 : f32
        %mul3A_364 = vector.broadcast %mul3A_363 : f32 to vector<16xf32>
        %mul3A_365 = arith.mulf %add3A_362, %mul3A_364 : vector<16xf32>
        %swap3A_366 = arith.constant 1 : i32
        %swap3A_367 = arith.index_cast %swap3A_366 : i32 to index
        %swap3A_368 = arith.index_cast %scan3A_223 : i32 to index
        %swap3A_369 = arith.constant 64 : index
        %swap3A_370 = tpu.vector_load %arg13[%swap3A_367, %swap3A_368, %swap3A_369] {strides = array<i32>} : memref<2x64x128xf32, #tpu.memory_space<vmem>>, vector<1x1x16xf32>,
        %swap3A_371 = vector.shape_cast %swap3A_370 : vector<1x1x16xf32> to vector<16xf32>
        %swap3A_372 = vector.shape_cast %mul3A_365 : vector<16xf32> to vector<1x1x16xf32>
        tpu.vector_store %arg13[%swap3A_367, %swap3A_368, %swap3A_369], %swap3A_372 {strides = array<i32>} : memref<2x64x128xf32, #tpu.memory_space<vmem>>, vector<1x1x16xf32>,
        %get3A_373 = arith.constant 1 : i32
        %get3A_374 = arith.index_cast %get3A_373 : i32 to index
        %get3A_375 = arith.index_cast %scan3A_223 : i32 to index
        %get3A_376 = arith.constant 80 : index
        %get3A_377 = tpu.vector_load %arg10[%get3A_374, %get3A_375, %get3A_376] {strides = array<i32>} : memref<2x64x128xf32, #tpu.memory_space<vmem>>, vector<1x1x16xf32>,
        %get3A_378 = vector.shape_cast %get3A_377 : vector<1x1x16xf32> to vector<16xf32>
        %get3A_379 = arith.constant 1 : i32
        %get3A_380 = arith.index_cast %get3A_379 : i32 to index
        %get3A_381 = arith.index_cast %scan3A_223 : i32 to index
        %get3A_382 = arith.constant 80 : index
        %get3A_383 = tpu.vector_load %arg11[%get3A_380, %get3A_381, %get3A_382] {strides = array<i32>} : memref<2x64x128xf32, #tpu.memory_space<vmem>>, vector<1x1x16xf32>,
        %get3A_384 = vector.shape_cast %get3A_383 : vector<1x1x16xf32> to vector<16xf32>
        %add3A_385 = arith.addf %get3A_378, %get3A_384 : vector<16xf32>
        %get3A_386 = arith.constant 1 : i32
        %get3A_387 = arith.index_cast %get3A_386 : i32 to index
        %get3A_388 = arith.index_cast %scan3A_223 : i32 to index
        %get3A_389 = arith.constant 80 : index
        %get3A_390 = tpu.vector_load %arg12[%get3A_387, %get3A_388, %get3A_389] {strides = array<i32>} : memref<2x64x128xf32, #tpu.memory_space<vmem>>, vector<1x1x16xf32>,
        %get3A_391 = vector.shape_cast %get3A_390 : vector<1x1x16xf32> to vector<16xf32>
        %add3A_392 = arith.addf %add3A_385, %get3A_391 : vector<16xf32>
        %mul3A_393 = arith.constant 0.333333343 : f32
        %mul3A_394 = vector.broadcast %mul3A_393 : f32 to vector<16xf32>
        %mul3A_395 = arith.mulf %add3A_392, %mul3A_394 : vector<16xf32>
        %swap3A_396 = arith.constant 1 : i32
        %swap3A_397 = arith.index_cast %swap3A_396 : i32 to index
        %swap3A_398 = arith.index_cast %scan3A_223 : i32 to index
        %swap3A_399 = arith.constant 80 : index
        %swap3A_400 = tpu.vector_load %arg13[%swap3A_397, %swap3A_398, %swap3A_399] {strides = array<i32>} : memref<2x64x128xf32, #tpu.memory_space<vmem>>, vector<1x1x16xf32>,
        %swap3A_401 = vector.shape_cast %swap3A_400 : vector<1x1x16xf32> to vector<16xf32>
        %swap3A_402 = vector.shape_cast %mul3A_395 : vector<16xf32> to vector<1x1x16xf32>
        tpu.vector_store %arg13[%swap3A_397, %swap3A_398, %swap3A_399], %swap3A_402 {strides = array<i32>} : memref<2x64x128xf32, #tpu.memory_space<vmem>>, vector<1x1x16xf32>,
        %get3A_403 = arith.constant 1 : i32
        %get3A_404 = arith.index_cast %get3A_403 : i32 to index
        %get3A_405 = arith.index_cast %scan3A_223 : i32 to index
        %get3A_406 = arith.constant 96 : index
        %get3A_407 = tpu.vector_load %arg10[%get3A_404, %get3A_405, %get3A_406] {strides = array<i32>} : memref<2x64x128xf32, #tpu.memory_space<vmem>>, vector<1x1x16xf32>,
        %get3A_408 = vector.shape_cast %get3A_407 : vector<1x1x16xf32> to vector<16xf32>
        %get3A_409 = arith.constant 1 : i32
        %get3A_410 = arith.index_cast %get3A_409 : i32 to index
        %get3A_411 = arith.index_cast %scan3A_223 : i32 to index
        %get3A_412 = arith.constant 96 : index
        %get3A_413 = tpu.vector_load %arg11[%get3A_410, %get3A_411, %get3A_412] {strides = array<i32>} : memref<2x64x128xf32, #tpu.memory_space<vmem>>, vector<1x1x16xf32>,
        %get3A_414 = vector.shape_cast %get3A_413 : vector<1x1x16xf32> to vector<16xf32>
        %add3A_415 = arith.addf %get3A_408, %get3A_414 : vector<16xf32>
        %get3A_416 = arith.constant 1 : i32
        %get3A_417 = arith.index_cast %get3A_416 : i32 to index
        %get3A_418 = arith.index_cast %scan3A_223 : i32 to index
        %get3A_419 = arith.constant 96 : index
        %get3A_420 = tpu.vector_load %arg12[%get3A_417, %get3A_418, %get3A_419] {strides = array<i32>} : memref<2x64x128xf32, #tpu.memory_space<vmem>>, vector<1x1x16xf32>,
        %get3A_421 = vector.shape_cast %get3A_420 : vector<1x1x16xf32> to vector<16xf32>
        %add3A_422 = arith.addf %add3A_415, %get3A_421 : vector<16xf32>
        %mul3A_423 = arith.constant 0.333333343 : f32
        %mul3A_424 = vector.broadcast %mul3A_423 : f32 to vector<16xf32>
        %mul3A_425 = arith.mulf %add3A_422, %mul3A_424 : vector<16xf32>
        %swap3A_426 = arith.constant 1 : i32
        %swap3A_427 = arith.index_cast %swap3A_426 : i32 to index
        %swap3A_428 = arith.index_cast %scan3A_223 : i32 to index
        %swap3A_429 = arith.constant 96 : index
        %swap3A_430 = tpu.vector_load %arg13[%swap3A_427, %swap3A_428, %swap3A_429] {strides = array<i32>} : memref<2x64x128xf32, #tpu.memory_space<vmem>>, vector<1x1x16xf32>,
        %swap3A_431 = vector.shape_cast %swap3A_430 : vector<1x1x16xf32> to vector<16xf32>
        %swap3A_432 = vector.shape_cast %mul3A_425 : vector<16xf32> to vector<1x1x16xf32>
        tpu.vector_store %arg13[%swap3A_427, %swap3A_428, %swap3A_429], %swap3A_432 {strides = array<i32>} : memref<2x64x128xf32, #tpu.memory_space<vmem>>, vector<1x1x16xf32>,
        %get3A_433 = arith.constant 1 : i32
        %get3A_434 = arith.index_cast %get3A_433 : i32 to index
        %get3A_435 = arith.index_cast %scan3A_223 : i32 to index
        %get3A_436 = arith.constant 112 : index
        %get3A_437 = tpu.vector_load %arg10[%get3A_434, %get3A_435, %get3A_436] {strides = array<i32>} : memref<2x64x128xf32, #tpu.memory_space<vmem>>, vector<1x1x16xf32>,
        %get3A_438 = vector.shape_cast %get3A_437 : vector<1x1x16xf32> to vector<16xf32>
        %get3A_439 = arith.constant 1 : i32
        %get3A_440 = arith.index_cast %get3A_439 : i32 to index
        %get3A_441 = arith.index_cast %scan3A_223 : i32 to index
        %get3A_442 = arith.constant 112 : index
        %get3A_443 = tpu.vector_load %arg11[%get3A_440, %get3A_441, %get3A_442] {strides = array<i32>} : memref<2x64x128xf32, #tpu.memory_space<vmem>>, vector<1x1x16xf32>,
        %get3A_444 = vector.shape_cast %get3A_443 : vector<1x1x16xf32> to vector<16xf32>
        %add3A_445 = arith.addf %get3A_438, %get3A_444 : vector<16xf32>
        %get3A_446 = arith.constant 1 : i32
        %get3A_447 = arith.index_cast %get3A_446 : i32 to index
        %get3A_448 = arith.index_cast %scan3A_223 : i32 to index
        %get3A_449 = arith.constant 112 : index
        %get3A_450 = tpu.vector_load %arg12[%get3A_447, %get3A_448, %get3A_449] {strides = array<i32>} : memref<2x64x128xf32, #tpu.memory_space<vmem>>, vector<1x1x16xf32>,
        %get3A_451 = vector.shape_cast %get3A_450 : vector<1x1x16xf32> to vector<16xf32>
        %add3A_452 = arith.addf %add3A_445, %get3A_451 : vector<16xf32>
        %mul3A_453 = arith.constant 0.333333343 : f32
        %mul3A_454 = vector.broadcast %mul3A_453 : f32 to vector<16xf32>
        %mul3A_455 = arith.mulf %add3A_452, %mul3A_454 : vector<16xf32>
        %swap3A_456 = arith.constant 1 : i32
        %swap3A_457 = arith.index_cast %swap3A_456 : i32 to index
        %swap3A_458 = arith.index_cast %scan3A_223 : i32 to index
        %swap3A_459 = arith.constant 112 : index
        %swap3A_460 = tpu.vector_load %arg13[%swap3A_457, %swap3A_458, %swap3A_459] {strides = array<i32>} : memref<2x64x128xf32, #tpu.memory_space<vmem>>, vector<1x1x16xf32>,
        %swap3A_461 = vector.shape_cast %swap3A_460 : vector<1x1x16xf32> to vector<16xf32>
        %swap3A_462 = vector.shape_cast %mul3A_455 : vector<16xf32> to vector<1x1x16xf32>
        tpu.vector_store %arg13[%swap3A_457, %swap3A_458, %swap3A_459], %swap3A_462 {strides = array<i32>} : memref<2x64x128xf32, #tpu.memory_space<vmem>>, vector<1x1x16xf32>,
        %scan3A_463 = arith.constant 0 : i32
        scf.yield %scan3A_463 : i32
      }
      %scan3A_201 = arith.constant 64 : i32
      %ge3A_202 = arith.constant 2 : i32
      %ge3A_203 = arith.cmpi sge, %add3A_151, %ge3A_202 : i32
      %convert_element_type3A_204 = arith.extui %ge3A_203 : i1 to i32
      %cond3A_205 = arith.constant 0 : i32
      %cond3A_206 = arith.cmpi ne, %convert_element_type3A_204, %cond3A_205 : i32
      scf.if %cond3A_206 {
        %dma_wait3A_223 = arith.constant 1 : i32
        %dma_wait3A_224 = arith.constant 0 : i32
        %dma_wait3A_225 = arith.constant 0 : i32
        %dma_wait3A_226 = tpu.memref_slice %arg13[%dma_wait3A_223, %dma_wait3A_224, %dma_wait3A_225] : memref<2x64x128xf32, #tpu.memory_space<vmem>> -> memref<1x64x128xf32, #tpu.memory_space<vmem>>
        %dma_wait3A_227 = tpu.memref_squeeze %dma_wait3A_226 : memref<1x64x128xf32, #tpu.memory_space<vmem>> -> memref<64x128xf32, #tpu.memory_space<vmem>>
        %dma_wait3A_228 = arith.constant 0 : i32
        %dma_wait3A_229 = arith.constant 0 : i32
        %dma_wait3A_230 = tpu.memref_slice %arg6[%dma_wait3A_228, %dma_wait3A_229] : memref<200704x128xf32, #tpu.memory_space<hbm>> -> memref<64x128xf32, #tpu.memory_space<hbm>>
        %dma_wait3A_231 = arith.constant 0 : i32
        %dma_wait3A_232 = arith.constant 0 : i32
        %dma_wait3A_233 = tpu.memref_slice %arg6[%dma_wait3A_231, %dma_wait3A_232] : memref<200704x128xf32, #tpu.memory_space<hbm>> -> memref<64x128xf32, #tpu.memory_space<hbm>>
        %dma_wait3A_234 = arith.constant 0 : i32
        %dma_wait3A_235 = arith.constant 0 : i32
        %dma_wait3A_236 = tpu.memref_slice %arg13[%dma_wait3A_223, %dma_wait3A_234, %dma_wait3A_235] : memref<2x64x128xf32, #tpu.memory_space<vmem>> -> memref<1x64x128xf32, #tpu.memory_space<vmem>>
        %dma_wait3A_237 = tpu.memref_squeeze %dma_wait3A_236 : memref<1x64x128xf32, #tpu.memory_space<vmem>> -> memref<64x128xf32, #tpu.memory_space<vmem>>
        tpu.wait_dma2 semaphore(%arg17 : memref<!tpu.dma_semaphore, #tpu.memory_space<semaphore_mem>>) src(%dma_wait3A_237 : memref<64x128xf32, #tpu.memory_space<vmem>>) dst(%dma_wait3A_233 : memref<64x128xf32, #tpu.memory_space<hbm>>)
      } else {
      }
      %add3A_207 = arith.addi %mul3A_2, %add3A_151 : i32
      %mul3A_208 = arith.constant 64 : i32
      %mul3A_209 = arith.muli %add3A_207, %mul3A_208 : i32
      %dma_start3A_210 = arith.constant 1 : i32
      %dma_start3A_211 = arith.constant 0 : i32
      %dma_start3A_212 = arith.constant 0 : i32
      %dma_start3A_213 = tpu.memref_slice %arg13[%dma_start3A_210, %dma_start3A_211, %dma_start3A_212] : memref<2x64x128xf32, #tpu.memory_space<vmem>> -> memref<1x64x128xf32, #tpu.memory_space<vmem>>
      %dma_start3A_214 = tpu.memref_squeeze %dma_start3A_213 : memref<1x64x128xf32, #tpu.memory_space<vmem>> -> memref<64x128xf32, #tpu.memory_space<vmem>>
      %dma_start3A_215 = arith.constant 0 : i32
      %dma_start3A_216 = tpu.memref_slice %arg6[%mul3A_209, %dma_start3A_215] : memref<200704x128xf32, #tpu.memory_space<hbm>> -> memref<64x128xf32, #tpu.memory_space<hbm>>
      %dma_start3A_217 = arith.constant 0 : i32
      %dma_start3A_218 = tpu.memref_slice %arg6[%mul3A_209, %dma_start3A_217] : memref<200704x128xf32, #tpu.memory_space<hbm>> -> memref<64x128xf32, #tpu.memory_space<hbm>>
      %dma_start3A_219 = arith.constant 0 : i32
      %dma_start3A_220 = arith.constant 0 : i32
      %dma_start3A_221 = tpu.memref_slice %arg13[%dma_start3A_210, %dma_start3A_219, %dma_start3A_220] : memref<2x64x128xf32, #tpu.memory_space<vmem>> -> memref<1x64x128xf32, #tpu.memory_space<vmem>>
      %dma_start3A_222 = tpu.memref_squeeze %dma_start3A_221 : memref<1x64x128xf32, #tpu.memory_space<vmem>> -> memref<64x128xf32, #tpu.memory_space<vmem>>
      tpu.enqueue_dma source(%dma_start3A_222 : memref<64x128xf32, #tpu.memory_space<vmem>>) target(%dma_start3A_218 : memref<64x128xf32, #tpu.memory_space<hbm>>) target_semaphore(%arg17 : memref<!tpu.dma_semaphore, #tpu.memory_space<semaphore_mem>>)
    }
    %scan3A_46 = arith.constant 49 : i32
    %dma_wait3A = arith.constant 0 : i32
    %dma_wait3A_47 = arith.constant 0 : i32
    %dma_wait3A_48 = arith.constant 0 : i32
    %dma_wait3A_49 = tpu.memref_slice %arg13[%dma_wait3A, %dma_wait3A_47, %dma_wait3A_48] : memref<2x64x128xf32, #tpu.memory_space<vmem>> -> memref<1x64x128xf32, #tpu.memory_space<vmem>>
    %dma_wait3A_50 = tpu.memref_squeeze %dma_wait3A_49 : memref<1x64x128xf32, #tpu.memory_space<vmem>> -> memref<64x128xf32, #tpu.memory_space<vmem>>
    %dma_wait3A_51 = arith.constant 0 : i32
    %dma_wait3A_52 = arith.constant 0 : i32
    %dma_wait3A_53 = tpu.memref_slice %arg6[%dma_wait3A_51, %dma_wait3A_52] : memref<200704x128xf32, #tpu.memory_space<hbm>> -> memref<64x128xf32, #tpu.memory_space<hbm>>
    %dma_wait3A_54 = arith.constant 0 : i32
    %dma_wait3A_55 = arith.constant 0 : i32
    %dma_wait3A_56 = tpu.memref_slice %arg6[%dma_wait3A_54, %dma_wait3A_55] : memref<200704x128xf32, #tpu.memory_space<hbm>> -> memref<64x128xf32, #tpu.memory_space<hbm>>
    %dma_wait3A_57 = arith.constant 0 : i32
    %dma_wait3A_58 = arith.constant 0 : i32
    %dma_wait3A_59 = tpu.memref_slice %arg13[%dma_wait3A, %dma_wait3A_57, %dma_wait3A_58] : memref<2x64x128xf32, #tpu.memory_space<vmem>> -> memref<1x64x128xf32, #tpu.memory_space<vmem>>
    %dma_wait3A_60 = tpu.memref_squeeze %dma_wait3A_59 : memref<1x64x128xf32, #tpu.memory_space<vmem>> -> memref<64x128xf32, #tpu.memory_space<vmem>>
    tpu.wait_dma2 semaphore(%arg16 : memref<!tpu.dma_semaphore, #tpu.memory_space<semaphore_mem>>) src(%dma_wait3A_60 : memref<64x128xf32, #tpu.memory_space<vmem>>) dst(%dma_wait3A_56 : memref<64x128xf32, #tpu.memory_space<hbm>>)
    %dma_wait3A_61 = arith.constant 1 : i32
    %dma_wait3A_62 = arith.constant 0 : i32
    %dma_wait3A_63 = arith.constant 0 : i32
    %dma_wait3A_64 = tpu.memref_slice %arg13[%dma_wait3A_61, %dma_wait3A_62, %dma_wait3A_63] : memref<2x64x128xf32, #tpu.memory_space<vmem>> -> memref<1x64x128xf32, #tpu.memory_space<vmem>>
    %dma_wait3A_65 = tpu.memref_squeeze %dma_wait3A_64 : memref<1x64x128xf32, #tpu.memory_space<vmem>> -> memref<64x128xf32, #tpu.memory_space<vmem>>
    %dma_wait3A_66 = arith.constant 0 : i32
    %dma_wait3A_67 = arith.constant 0 : i32
    %dma_wait3A_68 = tpu.memref_slice %arg6[%dma_wait3A_66, %dma_wait3A_67] : memref<200704x128xf32, #tpu.memory_space<hbm>> -> memref<64x128xf32, #tpu.memory_space<hbm>>
    %dma_wait3A_69 = arith.constant 0 : i32
    %dma_wait3A_70 = arith.constant 0 : i32
    %dma_wait3A_71 = tpu.memref_slice %arg6[%dma_wait3A_69, %dma_wait3A_70] : memref<200704x128xf32, #tpu.memory_space<hbm>> -> memref<64x128xf32, #tpu.memory_space<hbm>>
    %dma_wait3A_72 = arith.constant 0 : i32
    %dma_wait3A_73 = arith.constant 0 : i32
    %dma_wait3A_74 = tpu.memref_slice %arg13[%dma_wait3A_61, %dma_wait3A_72, %dma_wait3A_73] : memref<2x64x128xf32, #tpu.memory_space<vmem>> -> memref<1x64x128xf32, #tpu.memory_space<vmem>>
    %dma_wait3A_75 = tpu.memref_squeeze %dma_wait3A_74 : memref<1x64x128xf32, #tpu.memory_space<vmem>> -> memref<64x128xf32, #tpu.memory_space<vmem>>
    tpu.wait_dma2 semaphore(%arg17 : memref<!tpu.dma_semaphore, #tpu.memory_space<semaphore_mem>>) src(%dma_wait3A_75 : memref<64x128xf32, #tpu.memory_space<vmem>>) dst(%dma_wait3A_71 : memref<64x128xf32, #tpu.memory_space<hbm>>)
    return
  }
}

</mosaic_0001>

<sc_bundles>
// kernel: kernel.3.cloned.1.call-start
scs
__scs_entry_jumppad:
0x0: {  	(pc) =	sbr.rel $0x88, $3  }
0x1: {  	(tag) =	ssettag $0x0;
	lr =	simm.s32 $0x1  }
0x2: {  	[smem:$0x3F9E] =	sst lr;
	_ =	strace $0xD0000000  }
0x3: {  	_ = 	snop  }
0x4: {  	_ = 	snop  }
0x5: {  	_ = 	snop  }
0x6: {  	_ = 	snop  }
0x7: {  	_ = 	snop  }
__scs_overlays_trampoline_lowered:
0x8: {  	[smem:$0x3FAD] =	sst s0  }
0x9: {  	[smem:$0x3FAE] =	sst s1  }
0xa: {  	[smem:$0x3FAF] =	sst s2  }
0xb: {  	[smem:$0x3FB0] =	sst s3  }
0xc: {  	[smem:$0x3FB1] =	sst s4  }
0xd: {  	[smem:$0x3FB2] =	sst s5  }
0xe: {  	[smem:$0x3FB3] =	sst s6  }
0xf: {  	[smem:$0x3FB4] =	sst s7  }
0x10: {  	[smem:$0x3FB5] =	sst s8  }
0x11: {  	[smem:$0x3FB6] =	sst s9;
	s0 =	simm.s32 @!p0 $0x0  }
0x12: {  	s1 =	sld [smem:$0x3F9C];
	s0 =	simm.s32 @p0 $0x1  }
0x13: {  	[smem:$0x3FB7] =	sst s0;
	s0 =	simm.s32 @!p1 $0x0  }
0x14: {  	s2 =	sld [smem:$0x3F9B];
	s0 =	simm.s32 @p1 $0x1  }
0x15: {  	[smem:$0x3FB8] =	sst s0;
	s0 =	simm.s32 @!p2 $0x0  }
0x16: {  	s3 =	sld [smem:$0x3FDB];
	s0 =	simm.s32 @p2 $0x1  }
0x17: {  	s4 =	simm.s32 $0x1BF5;
	[smem:$0x3FBA] =	sst s0  }
0x18: {  	s0 =	sld [smem:$0x3F9D];
	_ =	swait.ge [sflag:s4], $0x0  }
0x19: {  	s7 =	sld [smem:$0x3F9E]  }
0x1a: {  	s8 =	sadd.s32 $0xFFFFE003, lr  }
0x1b: {  	s9 =	sadd.s32 $0xFFFFFEF7, lr;
	s5 =	simm.s32 $0xFFFFFFFF;
	p2 =	slt.u32 s8, $0xFFFFF086  }
0x1c: {  	p1 =	slt.u32 s9, $0xF7A;
	s5 =	simm.s32 @!p2 $0x0  }
0x1d: {  	s5 =	simm.s32 @p1 $0x1;
	p0 =	seq.s32 s7, s2  }
0x1e: {  	s7 =	smul.u32 @!p0 $0xF7A, s2;
	p2 =	seq.s32 @!p0 s5, $0x0  }
0x1f: {  	s9 =	smul.u32 $0xF7A, s1;
	s8 =	simm.s32 @!p0 $0x1BF5;
	p2 =	por !p2, p0  }
0x20: {  	[sflag:s8] =	ssyncset.s32 @!p0 $0xFFFFF086;
	s6 =	sadd.s32 @!p0 s3, s7;
	s7 =	simm.s32 @!p0 $0x108  }
0x21: {  	s3 =	sadd.s32 s3, s9;
	s6 =	sadd.s32 @!p0 $0x88, s6;
	s7 =	simm.s32 @p2 $0x1082  }
0x22: {  	[simem:s7], [sflag:s8] =	dma.local @!p0 [hbm:s6], $0xF7A  }
0x23: {  	s9 =	sor.u32 $0xD0000000, s2;
	s6 =	simm.s32 $0x108;
	_ =	swait.ge @!p0 [sflag:s8], $0x0  }
0x24: {  	s3 =	sadd.s32 $0x88, s3;
	s6 =	simm.s32 @!p1 $0x1082;
	[sflag:s4] =	ssyncset.s32 $0xFFFFF086  }
0x25: {  	[simem:s6], [sflag:s4] =	dma.local [hbm:s3], $0xF7A  }
0x26: {  	[smem:$0x3F9E] =	sst s1;
	(tag) =	ssettag s2;
	_ =	strace s9  }
0x27: {  	s1 =	sld [smem:$0x3FAE]  }
0x28: {  	s2 =	sld [smem:$0x3FAF]  }
0x29: {  	s4 =	sld [smem:$0x3FB1]  }
0x2a: {  	p0 =	seq.s32 s5, $0x0;
	s5 =	sld [smem:$0x3FB2]  }
0x2b: {  	s6 =	sld [smem:$0x3FB3]  }
0x2c: {  	s7 =	sld [smem:$0x3FB4]  }
0x2d: {  	s3 =	simm.s32 $0x108;
	s8 =	sld [smem:$0x3FB5]  }
0x2e: {  	s3 =	simm.s32 @!p0 $0x1082;
	s9 =	sld [smem:$0x3FB6]  }
0x2f: {  	lr =	sadd.s32 s0, s3;
	s0 =	sld [smem:$0x3FAD]  }
0x30: {  	s3 =	sld [smem:$0x3FB0]  }
0x31: {  	[smem:$0x3FB9] =	sst s10  }
0x32: {  	s10 =	sld [smem:$0x3FB7];
	_ =	sdelay $0x3  }
0x33: {  	p0 =	seq.s32 s10, $0x1;
	s10 =	sld [smem:$0x3FB9];
	_ =	sdelay $0x3  }
0x34: {  	[smem:$0x3FB9] =	sst s10  }
0x35: {  	s10 =	sld [smem:$0x3FB8];
	_ =	sdelay $0x3  }
0x36: {  	p1 =	seq.s32 s10, $0x1;
	s10 =	sld [smem:$0x3FB9];
	_ =	sdelay $0x3  }
0x37: {  	[smem:$0x3FB9] =	sst s10  }
0x38: {  	s10 =	sld [smem:$0x3FBA]  }
0x39: {  	_ = 	snop;
	(pc) =	sbr.ind lr, $3  }
0x3a: {  	_ = 	snop  }
0x3b: {  	_ = 	snop  }
0x3c: {  	p2 =	seq.s32 s10, $0x1;
	s10 =	sld [smem:$0x3FB9]  }
0x3d: {  	_ =	shalt  }
0x3e: {  	_ =	shalt  }
0x3f: {  	_ =	shalt  }
0x40: {  	_ =	shalt  }
0x41: {  	_ =	shalt  }
0x42: {  	_ =	shalt  }
0x43: {  	_ =	shalt  }
0x44: {  	_ =	shalt  }
0x45: {  	_ =	shalt  }
0x46: {  	_ =	shalt  }
0x47: {  	_ =	shalt  }
0x48: {  	_ =	shalt  }
0x49: {  	_ =	shalt  }
0x4a: {  	_ =	shalt  }
0x4b: {  	_ =	shalt  }
0x4c: {  	_ =	shalt  }
0x4d: {  	_ =	shalt  }
0x4e: {  	_ =	shalt  }
0x4f: {  	_ =	shalt  }
0x50: {  	_ =	shalt  }
0x51: {  	_ =	shalt  }
0x52: {  	_ =	shalt  }
0x53: {  	_ =	shalt  }
0x54: {  	_ =	shalt  }
0x55: {  	_ =	shalt  }
0x56: {  	_ =	shalt  }
0x57: {  	_ =	shalt  }
0x58: {  	_ =	shalt  }
0x59: {  	_ =	shalt  }
0x5a: {  	_ =	shalt  }
0x5b: {  	_ =	shalt  }
0x5c: {  	_ =	shalt  }
0x5d: {  	_ =	shalt  }
0x5e: {  	_ =	shalt  }
0x5f: {  	_ =	shalt  }
0x60: {  	_ =	shalt  }
0x61: {  	_ =	shalt  }
0x62: {  	_ =	shalt  }
0x63: {  	_ =	shalt  }
0x64: {  	_ =	shalt  }
0x65: {  	_ =	shalt  }
0x66: {  	_ =	shalt  }
0x67: {  	_ =	shalt  }
0x68: {  	_ =	shalt  }
0x69: {  	_ =	shalt  }
0x6a: {  	_ =	shalt  }
0x6b: {  	_ =	shalt  }
0x6c: {  	_ =	shalt  }
0x6d: {  	_ =	shalt  }
0x6e: {  	_ =	shalt  }
0x6f: {  	_ =	shalt  }
0x70: {  	_ =	shalt  }
0x71: {  	_ =	shalt  }
0x72: {  	_ =	shalt  }
0x73: {  	_ =	shalt  }
0x74: {  	_ =	shalt  }
0x75: {  	_ =	shalt  }
0x76: {  	_ =	shalt  }
0x77: {  	_ =	shalt  }
0x78: {  	_ =	shalt  }
0x79: {  	_ =	shalt  }
0x7a: {  	_ =	shalt  }
0x7b: {  	_ =	shalt  }
0x7c: {  	_ =	shalt  }
0x7d: {  	_ =	shalt  }
0x7e: {  	_ =	shalt  }
0x7f: {  	_ =	shalt  }
0x80: {  	_ =	shalt  }
0x81: {  	_ =	shalt  }
0x82: {  	_ =	shalt  }
0x83: {  	_ =	shalt  }
0x84: {  	_ =	shalt  }
0x85: {  	_ =	shalt  }
0x86: {  	_ =	shalt  }
0x87: {  	_ =	shalt  }
.Lfunc_end0:
.L_simem_size_0:
called_computation_lowered:
.L_overlay_start_0:
0x88: {  	s2 =	sld [smem:$0x3FD9]  }
0x89: {  	s3 =	sld [smem:$0x3FFE];
	_ =	sdelay $0x1  }
0x8a: {  	s1 =	srdreg.scid  }
0x8b: {  	s0 =	sand.u32 $0x1, s1  }
0x8c: {  	s14 =	sshll.u32 s0, $0xA;
	s2 =	sadd.s32 s3, s2  }
0x8d: {  	s2 =	sadd.s32 s2, s14  }
0x8e: {  	[smem:$0x3FC5] =	sst s2  }
0x8f: {  	_ = 	snop  }
0x90: {  	s2 =	sld [smem:$0x3FD0];
	_ =	sdelay $0x2  }
0x91: {  	s4 =	simm.s32 $0xA;
	s5 =	simm.s32 $0x10;
	s15 =	sld [smem:$0x3FC9]  }
0x92: {  	[smem:s5], [sflag:s4] =	dma.local [hbm:s2], $0x1  }
0x93: {  	_ =	swait.eq [sflag:s4], $0x1  }
0x94: {  	[sflag:s4] =	ssyncset.done $0x0  }
0x95: {  	[sflag:s4] =	ssyncadd.s32 $0xFFFFFFFF  }
0x96: {  	s16 =	sld [smem:$0x10];
	(tm) =	ssettm $0x1  }
0x97: {  	s17 =	sld [smem:$0x3FFB];
	_ =	sdelay $0x3  }
0x98: {  	_ =	strace s17  }
0x99: {  	s4 =	sld [smem:$0x3FFC];
	_ =	sdelay $0x3  }
0x9a: {  	_ =	strace s4  }
0x9b: {  	s4 =	sld [smem:$0x3FFD];
	_ =	sdelay $0x3  }
0x9c: {  	_ =	strace s4  }
0x9d: {  	_ =	strace $0x8FFFFFFF  }
0x9e: {  	s18 =	sld [smem:$0x3FDB];
	_ =	sdelay $0x1  }
0x9f: {  	s19 =	simm.s32 $_scs_section_size  }
0xa0: {  	s6 =	simm.s32 $_size__tile_overlayer_lowered;
	s7 =	simm.s32 $_tile_overlayer_lowered  }
0xa1: {  	s22 =	simm.s32 $0x1BFF;
	s21 =	sshll.u32 s7, $0x1;
	s4 =	sadd.s32 s19, s18  }
0xa2: {  	s8 =	simm.s32 $0x0;
	s20 =	sshll.u32 s6, $0x1;
	s6 =	sadd.s32 s21, s4  }
0xa3: {  	[timem:s8], [sflag:s22] =	dma.local [hbm:s6], s20  }
0xa4: {  	_ =	swait.ge [sflag:s22], s20  }
0xa5: {  	s5 =	ssub.s32 $0x0, s20;
	[sflag:s22] =	ssyncset.done $0x0  }
0xa6: {  	[sflag:s22] =	ssyncadd.s32 s5;
	_ =	sdelay $0x1  }
0xa7: {  	s23 =	simm.s32 $0x1B8B  }
0xa8: {  	_ =	swait.ge [sflag:s23], $0x1  }
0xa9: {  	[sflag:s23] =	ssyncset.done $0x0  }
0xaa: {  	s25 =	simm.s32 $0x1B8E;
	s24 =	sld [smem:$0x3FFE];
	[sflag:s23] =	ssyncadd.s32 $0xFFFFFFFF  }
0xab: {  	s26 =	simm.s32 $execute0_lowered;
	[smem:$0x3FD2] =	sst s25  }
0xac: {  	s6 =	sshll.u32 s26, $0x1;
	_ =	strace $0x80000046;
	[dreg:$0x1] =	wrdreg $0xFFFFFFFF  }
0xad: {  	s28 =	simm.s32 $_size_execute0_lowered;
	s4 =	sadd.s32 s4, s6;
	[dreg:$0x0] =	wrdreg $0x0  }
0xae: {  	s6 =	sshll.u32 s28, $0x1;
	[dreg:$0x2] =	wrdreg s4  }
0xaf: {  	[dreg:$0x3] =	wrdreg s6  }
0xb0: {  	[dreg:$0x4] =	wrdreg $0xC0  }
0xb1: {  	_ =	task [dreg:s8], $0x5FFFF  }
0xb2: {  	[dreg:$0x1] =	wrdreg $0xFFFFFFFF  }
0xb3: {  	[dreg:$0x0] =	wrdreg $0x60  }
0xb4: {  	[dreg:$0x2] =	wrdreg s15  }
0xb5: {  	[dreg:$0x3] =	wrdreg s24  }
0xb6: {  	[dreg:$0x4] =	wrdreg s16  }
0xb7: {  	[dreg:$0x5] =	wrdreg $0x9  }
0xb8: {  	_ =	task.clear_ibuf [dreg:s8], $0x6FFFF;
	_ =	strace $0x90000046  }
0xb9: {  	s29 =	simm.s32 $0x9;
	_ =	strace $0x80000048  }
0xba: {  	_ =	swait.ge [sflag:s29], $0x1  }
0xbb: {  	[sflag:s29] =	ssyncadd.s32 $0xFFFFFFFF  }
0xbc: {  	_ =	strace $0x90000048  }
0xbd: {  	_ =	sfence  }
0xbe: {  	s30 =	sld [smem:$0x0];
	_ =	sdelay $0x2  }
0xbf: {  	s31 =	sshll.u32 s1, $0xD;
	s1 =	sshrl.u32 s1, $0x2  }
0xc0: {  	s3 =	sand.u32 $0x4000, s31;
	s1 =	sadd.s32 s1, s30  }
0xc1: {  	s0 =	sor.u32 s3, s0;
	s1 =	sshll.u32 s1, $0x11  }
0xc2: {  	s0 =	sor.u32 s1, s0  }
0xc3: {  	s0 =	sadd.s32 $0x8F2B, s0  }
0xc4: {  	[sflag:s0] =	ssyncadd.remote.s32 $0x1  }
0xc5: {  	_ =	sfence.sel $0xFFFF  }
0xc6: {  	[dreg:$0x0] =	wrdreg $0xFFFFFFFF;
	(pc) =	sbr.abs _section_cstart, $3  }
0xc7: {  	[dreg:$0x1] =	wrdreg $0xFFFFFFFF  }
0xc8: {  	_ =	task.clear_ibuf [dreg:s8], $0x2FFFF;
	_ =	strace $0x9FFFFFFF  }
0xc9: {  	(tm) =	ssettm $0x7FFFFFFF  }
tec
execute0_lowered:
.L_overlay_start_1:
0x0: {  	(tag) =	ssettag $0x1  }
0x1: {  	s1 =	rddreg [dreg:$0x0]  }
0x2: {  	s0 =	rddreg [dreg:$0x1];
	s2 =	srdreg.scid  }
0x3: {  	s4 =	stileid.u32;
	s3 =	rddreg [dreg:$0x2]  }
0x4: {  	s14 =	simm.s32 $0x5;
	s17 =	simm.s32 $0x40;
	s21 =	simm.s32 $0x80  }
0x5: {  	s28 =	simm.s32 $0x1;
	s29 =	simm.s32 $0xC300;
	s30 =	simm.s32 $0x2  }
0x6: {  	s31 =	simm.s32 $0xE300;
	s2 =	sand.u32 $0x1, s2;
	s5 =	sshll.u32 s4, $0x1  }
0x7: {  	s18 =	simm.s32 $0x0;
	s4 =	simm.s32 $0x0;
	s7 =	sor.u32 s2, s5  }
0x8: {  	[smem:$0x7FF] =	sst s4;
	s5 =	sadd.s32 $0xA00, s0;
	s6 =	smul.u32 $0x3100, s7  }
0x9: {  	s2 =	ssub.s32 $0x2, s2;
	_ =	strace $0x80000047;
	s8 =	sshll.u32 s7, $0x8  }
0xa: {  	s22 =	sshrl.u32 s2, $0x1;
	s8 =	sand.u32 $0x300, s8;
	s9 =	sand.u32 $0x7FC00, s6  }
0xb: {  	s7 =	smul.u32 $0x62, s7;
	s23 =	ssub.s32 s2, s22;
	s8 =	sor.u32 s8, s9  }
0xc: {  	s22 =	simm.s32 $0x180;
	s2 =	simm.s32 $0x3;
	s10 =	sshrl.u32 s8, $0x3  }
0xd: {  	s6 =	sadd.s32 $0xCE00, s0;
	s12 =	sadd.s32 $0x2, s7;
	s24 =	sadd.s32 s5, s10  }
0xe: {  	s8 =	sadd.s32 $0x19200, s0;
	s25 =	sadd.s32 s6, s10;
	[dreg:$0x4] =	wrdreg s24  }
0xf: {  	s13 =	smax.u32 s23, $0x1;
	s26 =	sadd.s32 s8, s10;
	[dreg:$0x5] =	wrdreg s25  }
0x10: {  	s23 =	simm.s32 $0x280;
	s0 =	simm.s32 $0x4;
	[dreg:$0x6] =	wrdreg s26  }
0x11: {  	s24 =	simm.s32 $0x2300;
	s25 =	simm.s32 $0x6300;
	s26 =	simm.s32 $0xA300  }
.LBB2_1:
0x12: {  	s9 =	rddreg [dreg:$0x4]  }
0x13: {  	[tilespmem:s4], [sflag:$0x5] =	stream.linear.gather [hbm4b:s9+s4], $0x80, $0x38;
	[tilespmem:$0x10300] =	vst v63  }
0x14: {  	_ =	swait.ge [sflag:s14], $0x80  }
0x15: {  	[sflag:s14] =	ssyncset.done $0x0  }
0x16: {  	s10 =	simm.s32 $0x100;
	s11 =	rddreg [dreg:$0x5];
	[sflag:s14] =	ssyncadd.s32 $0xFFFFFF80  }
0x17: {  	[tilespmem:s10], [sflag:$0x5] =	stream.linear.gather [hbm4b:s11+s4], $0x80, $0x38;
	[tilespmem:$0x10300] =	vst v63  }
0x18: {  	_ =	swait.ge [sflag:s14], $0x80  }
0x19: {  	[sflag:s14] =	ssyncset.done $0x0  }
0x1a: {  	s11 =	simm.s32 $0x200;
	s15 =	rddreg [dreg:$0x6];
	[sflag:s14] =	ssyncadd.s32 $0xFFFFFF80  }
0x1b: {  	[tilespmem:s11], [sflag:$0x5] =	stream.linear.gather [hbm4b:s15+s4], $0x80, $0x38;
	[tilespmem:$0x10300] =	vst v63  }
0x1c: {  	_ =	swait.ge [sflag:s14], $0x80  }
0x1d: {  	[sflag:s14] =	ssyncset.done $0x0  }
0x1e: {  	s16 =	simm.s32 $0x300;
	[sflag:s14] =	ssyncadd.s32 $0xFFFFFF80  }
0x1f: {  	[tilespmem:s16], [sflag:$0x1] =	stream.indirect.gather [hbm4b:s1+s17], $0x80, s4, s17, $0xb8;
	[tilespmem:$0x10300] =	vst v63  }
0x20: {  	s19 =	simm.s32 $0x4300  }
0x21: {  	[tilespmem:s19], [sflag:$0x1] =	stream.indirect.gather [hbm4b:s1+s17], $0x80, s10, s17, $0xb8;
	[tilespmem:$0x10300] =	vst v63  }
0x22: {  	s20 =	simm.s32 $0x8300;
	s19 =	simm.s32 $0x0  }
0x23: {  	[tilespmem:s20], [sflag:$0x1] =	stream.indirect.gather [hbm4b:s1+s17], $0x80, s11, s17, $0xb8;
	[tilespmem:$0x10300] =	vst v63  }
.LBB2_2:
0x24: {  	s15 =	sshll.u32 s19, $0x1  }
0x25: {  	s9 =	sadd.s32 s15, s7  }
0x26: {  	s20 =	sadd.s32 $0x1, s9  }
0x27: {  	s9 =	sshll.u32 s20, $0x4  }
0x28: {  	s9 =	sand.u32 $0xFFFFFF0, s9  }
0x29: {  	s16 =	simm.s32 $0x0;
	s10 =	sadd.s32 s5, s9  }
0x2a: {  	[tilespmem:s21], [sflag:$0x5] =	stream.linear.gather [hbm4b:s10+s16], $0x80, $0x38;
	[tilespmem:$0x10300] =	vst v63  }
0x2b: {  	_ =	swait.ge [sflag:s14], $0x80  }
0x2c: {  	[sflag:s14] =	ssyncset.done $0x0  }
0x2d: {  	s11 =	sadd.s32 s6, s9;
	[sflag:s14] =	ssyncadd.s32 $0xFFFFFF80  }
0x2e: {  	[tilespmem:s22], [sflag:$0x5] =	stream.linear.gather [hbm4b:s11+s16], $0x80, $0x38;
	[tilespmem:$0x10300] =	vst v63  }
0x2f: {  	_ =	swait.ge [sflag:s14], $0x80  }
0x30: {  	[sflag:s14] =	ssyncset.done $0x0  }
0x31: {  	s9 =	sadd.s32 s8, s9;
	[sflag:s14] =	ssyncadd.s32 $0xFFFFFF80  }
0x32: {  	[tilespmem:s23], [sflag:$0x5] =	stream.linear.gather [hbm4b:s9+s16], $0x80, $0x38;
	[tilespmem:$0x10300] =	vst v63  }
0x33: {  	_ =	swait.ge [sflag:s14], $0x80  }
0x34: {  	[sflag:s14] =	ssyncset.done $0x0  }
0x35: {  	[sflag:s14] =	ssyncadd.s32 $0xFFFFFF80  }
0x36: {  	[tilespmem:s24], [sflag:$0x2] =	stream.indirect.gather [hbm4b:s1+s17], $0x80, s21, s17, $0xb8;
	[tilespmem:$0x10300] =	vst v63  }
0x37: {  	_ = 	snop  }
0x38: {  	[tilespmem:s25], [sflag:$0x2] =	stream.indirect.gather [hbm4b:s1+s17], $0x80, s22, s17, $0xb8;
	[tilespmem:$0x10300] =	vst v63  }
0x39: {  	_ = 	snop  }
0x3a: {  	[tilespmem:s26], [sflag:$0x2] =	stream.indirect.gather [hbm4b:s1+s17], $0x80, s23, s17, $0xb8;
	[tilespmem:$0x10300] =	vst v63  }
0x3b: {  	_ =	swait.ge [sflag:s28], $0x2000  }
0x3c: {  	[sflag:s28] =	ssyncset.done $0x0  }
0x3d: {  	[sflag:s28] =	ssyncadd.s32 $0xFFFFE000  }
0x3e: {  	_ =	swait.ge [sflag:s28], $0x2000  }
0x3f: {  	[sflag:s28] =	ssyncset.done $0x0  }
0x40: {  	[sflag:s28] =	ssyncadd.s32 $0xFFFFE000  }
0x41: {  	_ =	swait.ge [sflag:s28], $0x2000  }
0x42: {  	[sflag:s28] =	ssyncset.done $0x0  }
0x43: {  	s16 =	simm.s32 $0x0;
	[sflag:s28] =	ssyncadd.s32 $0xFFFFE000  }
0x44: {  	v0 =	vld [tilespmem:s16+$0x370]  }
0x45: {  	v1 =	vld [tilespmem:s16+$0x4370]  }
0x46: {  	v2 =	vld [tilespmem:s16+$0x300]  }
0x47: {  	v3 =	vld [tilespmem:s16+$0x8370]  }
0x48: {  	v4 =	vld [tilespmem:s16+$0x4300]  }
0x49: {  	v5 =	vld [tilespmem:s16+$0x310]  }
0x4a: {  	v6 =	vld [tilespmem:s16+$0x4310]  }
0x4b: {  	v7 =	vld [tilespmem:s16+$0x4320]  }
0x4c: {  	v9 =	vld [tilespmem:s16+$0x4330]  }
0x4d: {  	v10 =	vld [tilespmem:s16+$0x340]  }
0x4e: {  	v11 =	vld [tilespmem:s16+$0x4340]  }
0x4f: {  	v12 =	vld [tilespmem:s16+$0x4350]  }
0x50: {  	v13 =	vld [tilespmem:s16+$0x360]  }
0x51: {  	v14 =	vld [tilespmem:s16+$0x4360];
	v0 =	vadd.f32 v1, v0  }
0x52: {  	v1 =	vld [tilespmem:s16+$0x320]  }
0x53: {  	v0 =	vadd.f32 v3, v0;
	v3 =	vld [tilespmem:s16+$0x330]  }
0x54: {  	v15 =	vld [tilespmem:s16+$0x8300]  }
0x55: {  	v16 =	vld [tilespmem:s16+$0x8310];
	v0 =	vmul.f32 $3.333333430e-01, v0  }
0x56: {  	v17 =	vld [tilespmem:s16+$0x8320]  }
0x57: {  	v2 =	vadd.f32 v4, v2;
	v18 =	vadd.f32 v6, v5;
	[tilespmem:s16+$0xC370] =	vst v0;
	v0 =	vld [tilespmem:s16+$0x350]  }
0x58: {  	v8 =	vld [tilespmem:s16+$0x8330];
	v19 =	vadd.f32 v7, v1;
	v4 =	vadd.f32 v9, v3  }
0x59: {  	v7 =	vld [tilespmem:s16+$0x8340];
	v3 =	vadd.f32 v11, v10;
	v10 =	vadd.f32 v15, v2  }
0x5a: {  	v6 =	vld [tilespmem:s16+$0x8350]  }
0x5b: {  	s9 =	simm.s32 $0x80;
	v5 =	vld [tilespmem:s16+$0x8360];
	v9 =	vadd.f32 v16, v18;
	v11 =	vmul.f32 $3.333333430e-01, v10;
	v10 =	vadd.f32 v17, v19  }
0x5c: {  	s10 =	simm.s32 $0x400;
	v1 =	vld [tilespmem:s9+$0x370];
	v2 =	vadd.f32 v12, v0;
	v0 =	vadd.f32 v14, v13  }
.LBB2_3:
0x5d: {  	p0 =	sne.s32 s10, $0x7E00;
	v12 =	vld [tilespmem:s9+$0x4370];
	v9 =	vmul.f32 $3.333333430e-01, v9;
	v4 =	vadd.f32 v8, v4  }
0x5e: {  	v8 =	vld [tilespmem:s9+$0x300];
	[tilespmem:s16+$0xC300] =	vst v11;
	v10 =	vmul.f32 $3.333333430e-01, v10;
	v3 =	vadd.f32 v7, v3  }
0x5f: {  	v7 =	vld [tilespmem:s9+$0x8370];
	[tilespmem:s16+$0xC310] =	vst v9;
	v4 =	vmul.f32 $3.333333430e-01, v4;
	v2 =	vadd.f32 v6, v2  }
0x60: {  	v6 =	vld [tilespmem:s9+$0x4300];
	[tilespmem:s16+$0xC320] =	vst v10;
	v3 =	vmul.f32 $3.333333430e-01, v3;
	v0 =	vadd.f32 v5, v0  }
0x61: {  	v5 =	vld [tilespmem:s9+$0x310];
	[tilespmem:s16+$0xC330] =	vst v4;
	v2 =	vmul.f32 $3.333333430e-01, v2  }
0x62: {  	v4 =	vld [tilespmem:s9+$0x4310];
	v1 =	vadd.f32 v12, v1;
	[tilespmem:s16+$0xC340] =	vst v3;
	v0 =	vmul.f32 $3.333333430e-01, v0  }
0x63: {  	v3 =	vld [tilespmem:s9+$0x320];
	[tilespmem:s16+$0xC350] =	vst v2  }
0x64: {  	v2 =	vld [tilespmem:s9+$0x4320];
	v1 =	vadd.f32 v7, v1;
	[tilespmem:s16+$0xC360] =	vst v0;
	s16 =	smov.u32 s9  }
0x65: {  	v6 =	vadd.f32 v6, v8;
	v0 =	vld [tilespmem:s16+$0x330]  }
0x66: {  	v7 =	vld [tilespmem:s16+$0x4330];
	v1 =	vmul.f32 $3.333333430e-01, v1  }
0x67: {  	v5 =	vadd.f32 v4, v5;
	v8 =	vld [tilespmem:s16+$0x340]  }
0x68: {  	v9 =	vld [tilespmem:s16+$0x4340];
	[tilespmem:s16+$0xC370] =	vst v1  }
0x69: {  	v10 =	vadd.f32 v2, v3;
	v1 =	vld [tilespmem:s16+$0x350]  }
0x6a: {  	v2 =	vld [tilespmem:s16+$0x4350]  }
0x6b: {  	v4 =	vadd.f32 v7, v0;
	v0 =	vld [tilespmem:s16+$0x360]  }
0x6c: {  	v11 =	vld [tilespmem:s16+$0x4360]  }
0x6d: {  	v12 =	vld [tilespmem:s16+$0x8300];
	v3 =	vadd.f32 v9, v8  }
0x6e: {  	v9 =	vld [tilespmem:s16+$0x8310]  }
0x6f: {  	v13 =	vld [tilespmem:s16+$0x8320];
	v2 =	vadd.f32 v2, v1  }
.Ltmp0:
0x70: {  	v8 =	vld [tilespmem:s16+$0x8330];
	(pc) =	sbr.rel @p0 .LBB2_3-.Ltmp0, $4  }
0x71: {  	v7 =	vld [tilespmem:s16+$0x8340];
	v0 =	vadd.f32 v11, v0  }
0x72: {  	v11 =	vadd.f32 v12, v6;
	v6 =	vld [tilespmem:s16+$0x8350]  }
0x73: {  	s9 =	sshra.s32 s10, $0x2;
	v9 =	vadd.f32 v9, v5;
	v5 =	vld [tilespmem:s16+$0x8360]  }
0x74: {  	s10 =	sadd.s32 $0x200, s10;
	v1 =	vld [tilespmem:s9+$0x370];
	v11 =	vmul.f32 $3.333333430e-01, v11;
	v10 =	vadd.f32 v13, v10  }
0x75: {  	v12 =	vld [tilespmem:s9+$0x4370];
	v9 =	vmul.f32 $3.333333430e-01, v9;
	v4 =	vadd.f32 v8, v4  }
0x76: {  	v13 =	vld [tilespmem:s9+$0x300];
	[tilespmem:s16+$0xC300] =	vst v11;
	v8 =	vmul.f32 $3.333333430e-01, v10;
	v3 =	vadd.f32 v7, v3  }
0x77: {  	v11 =	vld [tilespmem:s9+$0x8370];
	[tilespmem:s16+$0xC310] =	vst v9;
	v4 =	vmul.f32 $3.333333430e-01, v4;
	v2 =	vadd.f32 v6, v2  }
0x78: {  	v9 =	vld [tilespmem:s9+$0x4300];
	[tilespmem:s16+$0xC320] =	vst v8;
	v3 =	vmul.f32 $3.333333430e-01, v3;
	v0 =	vadd.f32 v5, v0  }
0x79: {  	v7 =	vld [tilespmem:s9+$0x310];
	[tilespmem:s16+$0xC330] =	vst v4;
	v2 =	vmul.f32 $3.333333430e-01, v2  }
0x7a: {  	v4 =	vld [tilespmem:s9+$0x4310];
	[tilespmem:s16+$0xC340] =	vst v3;
	v0 =	vmul.f32 $3.333333430e-01, v0  }
0x7b: {  	v1 =	vadd.f32 v12, v1;
	v3 =	vld [tilespmem:s9+$0x320];
	[tilespmem:s16+$0xC350] =	vst v2  }
0x7c: {  	v2 =	vld [tilespmem:s9+$0x4320];
	[tilespmem:s16+$0xC360] =	vst v0  }
0x7d: {  	v0 =	vadd.f32 v11, v1;
	v1 =	vld [tilespmem:s9+$0x330]  }
0x7e: {  	v5 =	vld [tilespmem:s9+$0x4330]  }
0x7f: {  	v6 =	vld [tilespmem:s9+$0x340]  }
0x80: {  	v8 =	vld [tilespmem:s9+$0x4340]  }
0x81: {  	v10 =	vld [tilespmem:s9+$0x4350]  }
0x82: {  	v11 =	vld [tilespmem:s9+$0x360]  }
0x83: {  	v57 =	vld [tilespmem:s9+$0x4360]  }
0x84: {  	v14 =	vld [tilespmem:s9+$0x8300]  }
0x85: {  	v15 =	vld [tilespmem:s9+$0x8310]  }
0x86: {  	v16 =	vld [tilespmem:s9+$0x8320];
	v0 =	vmul.f32 $3.333333430e-01, v0  }
0x87: {  	v58 =	vld [tilespmem:s9+$0x8330]  }
0x88: {  	v9 =	vadd.f32 v9, v13;
	[tilespmem:s9+$0xC370] =	vst v0;
	v0 =	vld [tilespmem:s9+$0x350]  }
0x89: {  	v4 =	vadd.f32 v4, v7;
	v7 =	vld [tilespmem:s9+$0x8340]  }
0x8a: {  	v2 =	vadd.f32 v2, v3;
	v3 =	vadd.f32 v14, v9;
	v9 =	vld [tilespmem:s9+$0x8350]  }
0x8b: {  	v1 =	vadd.f32 v5, v1;
	v4 =	vadd.f32 v15, v4;
	v5 =	vld [tilespmem:s9+$0x8360]  }
0x8c: {  	v6 =	vadd.f32 v8, v6;
	v2 =	vadd.f32 v16, v2;
	v3 =	vmul.f32 $3.333333430e-01, v3  }
0x8d: {  	v4 =	vmul.f32 $3.333333430e-01, v4;
	v1 =	vadd.f32 v58, v1;
	v0 =	vadd.f32 v10, v0  }
0x8e: {  	v8 =	vadd.f32 v57, v11;
	v2 =	vmul.f32 $3.333333430e-01, v2;
	[tilespmem:s9+$0xC300] =	vst v3;
	v3 =	vadd.f32 v7, v6  }
0x8f: {  	[tilespmem:s9+$0xC310] =	vst v4;
	v1 =	vmul.f32 $3.333333430e-01, v1;
	v0 =	vadd.f32 v9, v0  }
0x90: {  	[tilespmem:s9+$0xC320] =	vst v2;
	v2 =	vmul.f32 $3.333333430e-01, v3;
	v3 =	vadd.f32 v5, v8  }
0x91: {  	[tilespmem:s9+$0xC330] =	vst v1;
	v0 =	vmul.f32 $3.333333430e-01, v0  }
0x92: {  	[tilespmem:s9+$0xC340] =	vst v2;
	v1 =	vmul.f32 $3.333333430e-01, v3  }
0x93: {  	p0 =	seq.s32 s19, $0x0;
	[tilespmem:s9+$0xC350] =	vst v0  }
0x94: {  	[tilespmem:s9+$0xC360] =	vst v1;
	s9 =	simm.s32 @!p0 $0x3  }
0x95: {  	s10 =	sadd.s32 s7, s15;
	_ =	swait.ge @!p0 [sflag:s9], $0x2000  }
0x96: {  	p1 =	seq.s32 s19, $0x30;
	s10 =	sshll.u32 s10, $0xA;
	[sflag:s9] =	ssyncset.done @!p0 $0x0  }
0x97: {  	s16 =	sadd.s32 s3, s10;
	[sflag:s9] =	ssyncadd.s32 @!p0 $0xFFFFE000;
	s9 =	sadd.s32 @!p1 s15, s12  }
0x98: {  	[hbm4b:s16+s4] =	stream.linear.scatter [tilespmem:s29], [sflag:$0x3], $0x2000, $0x38;
	[tilespmem:$0x10300] =	vst v63  }
0x99: {  	s9 =	sshll.u32 @!p1 s9, $0x4  }
0x9a: {  	s9 =	sand.u32 @!p1 $0xFFFFFE0, s9  }
0x9b: {  	s15 =	simm.s32 @!p1 $0x0;
	s10 =	sadd.s32 @!p1 s5, s9  }
0x9c: {  	[tilespmem:s15], [sflag:$0x5] =	stream.linear.gather @!p1 [hbm4b:s10+s15], $0x80, $0x38;
	[tilespmem:$0x10300] =	vst v63  }
0x9d: {  	s10 =	simm.s32 @!p1 $0x5  }
0x9e: {  	_ =	swait.ge @!p1 [sflag:s10], $0x80  }
0x9f: {  	[sflag:s10] =	ssyncset.done @!p1 $0x0  }
0xa0: {  	s11 =	simm.s32 @!p1 $0x100;
	s16 =	sadd.s32 @!p1 s6, s9;
	[sflag:s10] =	ssyncadd.s32 @!p1 $0xFFFFFF80  }
0xa1: {  	[tilespmem:s11], [sflag:$0x5] =	stream.linear.gather @!p1 [hbm4b:s16+s15], $0x80, $0x38;
	[tilespmem:$0x10300] =	vst v63  }
0xa2: {  	_ =	swait.ge @!p1 [sflag:s10], $0x80  }
0xa3: {  	[sflag:s10] =	ssyncset.done @!p1 $0x0  }
0xa4: {  	s9 =	sadd.s32 @!p1 s8, s9;
	s16 =	simm.s32 @!p1 $0x200;
	[sflag:s10] =	ssyncadd.s32 @!p1 $0xFFFFFF80  }
0xa5: {  	[tilespmem:s16], [sflag:$0x5] =	stream.linear.gather @!p1 [hbm4b:s9+s15], $0x80, $0x38;
	[tilespmem:$0x10300] =	vst v63  }
0xa6: {  	_ =	swait.ge @!p1 [sflag:s10], $0x80  }
0xa7: {  	[sflag:s10] =	ssyncset.done @!p1 $0x0  }
0xa8: {  	s9 =	simm.s32 @!p1 $0x40;
	[sflag:s10] =	ssyncadd.s32 @!p1 $0xFFFFFF80;
	s10 =	simm.s32 @!p1 $0x300  }
0xa9: {  	[tilespmem:s10], [sflag:$0x1] =	stream.indirect.gather @!p1 [hbm4b:s1+s9], $0x80, s15, s9, $0xb8;
	[tilespmem:$0x10300] =	vst v63  }
0xaa: {  	s10 =	simm.s32 @!p1 $0x4300  }
0xab: {  	[tilespmem:s10], [sflag:$0x1] =	stream.indirect.gather @!p1 [hbm4b:s1+s9], $0x80, s11, s9, $0xb8;
	[tilespmem:$0x10300] =	vst v63  }
0xac: {  	s10 =	simm.s32 @!p1 $0x8300  }
0xad: {  	[tilespmem:s10], [sflag:$0x1] =	stream.indirect.gather @!p1 [hbm4b:s1+s9], $0x80, s16, s9, $0xb8;
	[tilespmem:$0x10300] =	vst v63  }
0xae: {  	_ =	swait.ge [sflag:s30], $0x2000  }
0xaf: {  	[sflag:s30] =	ssyncset.done $0x0  }
0xb0: {  	[sflag:s30] =	ssyncadd.s32 $0xFFFFE000  }
0xb1: {  	_ =	swait.ge [sflag:s30], $0x2000  }
0xb2: {  	[sflag:s30] =	ssyncset.done $0x0  }
0xb3: {  	[sflag:s30] =	ssyncadd.s32 $0xFFFFE000  }
0xb4: {  	_ =	swait.ge [sflag:s30], $0x2000  }
0xb5: {  	[sflag:s30] =	ssyncset.done $0x0  }
0xb6: {  	s15 =	simm.s32 $0x0;
	[sflag:s30] =	ssyncadd.s32 $0xFFFFE000  }
0xb7: {  	v0 =	vld [tilespmem:s15+$0x2370]  }
0xb8: {  	v1 =	vld [tilespmem:s15+$0x6370]  }
0xb9: {  	v2 =	vld [tilespmem:s15+$0x2300]  }
0xba: {  	v3 =	vld [tilespmem:s15+$0xA370]  }
0xbb: {  	v4 =	vld [tilespmem:s15+$0x6300]  }
0xbc: {  	v5 =	vld [tilespmem:s15+$0x2310]  }
0xbd: {  	v6 =	vld [tilespmem:s15+$0x6310]  }
0xbe: {  	v7 =	vld [tilespmem:s15+$0x6320]  }
0xbf: {  	v9 =	vld [tilespmem:s15+$0x6330]  }
0xc0: {  	v10 =	vld [tilespmem:s15+$0x2340]  }
0xc1: {  	v11 =	vld [tilespmem:s15+$0x6340]  }
0xc2: {  	v59 =	vld [tilespmem:s15+$0x6350]  }
0xc3: {  	v60 =	vld [tilespmem:s15+$0x2360]  }
0xc4: {  	v61 =	vld [tilespmem:s15+$0x6360];
	v0 =	vadd.f32 v1, v0  }
0xc5: {  	v1 =	vld [tilespmem:s15+$0x2320]  }
0xc6: {  	v0 =	vadd.f32 v3, v0;
	v3 =	vld [tilespmem:s15+$0x2330]  }
0xc7: {  	v62 =	vld [tilespmem:s15+$0xA300]  }
0xc8: {  	v63 =	vld [tilespmem:s15+$0xA310];
	v0 =	vmul.f32 $3.333333430e-01, v0  }
0xc9: {  	v17 =	vld [tilespmem:s15+$0xA320]  }
0xca: {  	v2 =	vadd.f32 v4, v2;
	v18 =	vadd.f32 v6, v5;
	[tilespmem:s15+$0xE370] =	vst v0;
	v0 =	vld [tilespmem:s15+$0x2350]  }
0xcb: {  	v8 =	vld [tilespmem:s15+$0xA330];
	v19 =	vadd.f32 v7, v1;
	v4 =	vadd.f32 v9, v3  }
0xcc: {  	v7 =	vld [tilespmem:s15+$0xA340];
	v3 =	vadd.f32 v11, v10;
	v10 =	vadd.f32 v62, v2  }
0xcd: {  	v6 =	vld [tilespmem:s15+$0xA350]  }
0xce: {  	s9 =	simm.s32 $0x80;
	v5 =	vld [tilespmem:s15+$0xA360];
	v9 =	vadd.f32 v63, v18;
	v11 =	vmul.f32 $3.333333430e-01, v10;
	v10 =	vadd.f32 v17, v19  }
0xcf: {  	s10 =	simm.s32 $0x400;
	v1 =	vld [tilespmem:s9+$0x2370];
	v2 =	vadd.f32 v59, v0;
	v0 =	vadd.f32 v61, v60  }
.LBB2_5:
0xd0: {  	p1 =	sne.s32 s10, $0x7E00;
	v12 =	vld [tilespmem:s9+$0x6370];
	v9 =	vmul.f32 $3.333333430e-01, v9;
	v4 =	vadd.f32 v8, v4  }
0xd1: {  	v8 =	vld [tilespmem:s9+$0x2300];
	[tilespmem:s15+$0xE300] =	vst v11;
	v10 =	vmul.f32 $3.333333430e-01, v10;
	v3 =	vadd.f32 v7, v3  }
0xd2: {  	v7 =	vld [tilespmem:s9+$0xA370];
	[tilespmem:s15+$0xE310] =	vst v9;
	v4 =	vmul.f32 $3.333333430e-01, v4;
	v2 =	vadd.f32 v6, v2  }
0xd3: {  	v6 =	vld [tilespmem:s9+$0x6300];
	[tilespmem:s15+$0xE320] =	vst v10;
	v3 =	vmul.f32 $3.333333430e-01, v3;
	v0 =	vadd.f32 v5, v0  }
0xd4: {  	v5 =	vld [tilespmem:s9+$0x2310];
	[tilespmem:s15+$0xE330] =	vst v4;
	v2 =	vmul.f32 $3.333333430e-01, v2  }
0xd5: {  	v4 =	vld [tilespmem:s9+$0x6310];
	v1 =	vadd.f32 v12, v1;
	[tilespmem:s15+$0xE340] =	vst v3;
	v0 =	vmul.f32 $3.333333430e-01, v0  }
0xd6: {  	v3 =	vld [tilespmem:s9+$0x2320];
	[tilespmem:s15+$0xE350] =	vst v2  }
0xd7: {  	v2 =	vld [tilespmem:s9+$0x6320];
	v1 =	vadd.f32 v7, v1;
	[tilespmem:s15+$0xE360] =	vst v0;
	s15 =	smov.u32 s9  }
0xd8: {  	v6 =	vadd.f32 v6, v8;
	v0 =	vld [tilespmem:s15+$0x2330]  }
0xd9: {  	v7 =	vld [tilespmem:s15+$0x6330];
	v1 =	vmul.f32 $3.333333430e-01, v1  }
0xda: {  	v5 =	vadd.f32 v4, v5;
	v8 =	vld [tilespmem:s15+$0x2340]  }
0xdb: {  	v9 =	vld [tilespmem:s15+$0x6340];
	[tilespmem:s15+$0xE370] =	vst v1  }
0xdc: {  	v10 =	vadd.f32 v2, v3;
	v1 =	vld [tilespmem:s15+$0x2350]  }
0xdd: {  	v2 =	vld [tilespmem:s15+$0x6350]  }
0xde: {  	v4 =	vadd.f32 v7, v0;
	v0 =	vld [tilespmem:s15+$0x2360]  }
0xdf: {  	v11 =	vld [tilespmem:s15+$0x6360]  }
0xe0: {  	v12 =	vld [tilespmem:s15+$0xA300];
	v3 =	vadd.f32 v9, v8  }
0xe1: {  	v9 =	vld [tilespmem:s15+$0xA310]  }
0xe2: {  	v13 =	vld [tilespmem:s15+$0xA320];
	v2 =	vadd.f32 v2, v1  }
.Ltmp1:
0xe3: {  	v8 =	vld [tilespmem:s15+$0xA330];
	(pc) =	sbr.rel @p1 .LBB2_5-.Ltmp1, $4  }
0xe4: {  	v7 =	vld [tilespmem:s15+$0xA340];
	v0 =	vadd.f32 v11, v0  }
0xe5: {  	v11 =	vadd.f32 v12, v6;
	v6 =	vld [tilespmem:s15+$0xA350]  }
0xe6: {  	s9 =	sshra.s32 s10, $0x2;
	v9 =	vadd.f32 v9, v5;
	v5 =	vld [tilespmem:s15+$0xA360]  }
0xe7: {  	s10 =	sadd.s32 $0x200, s10;
	v1 =	vld [tilespmem:s9+$0x2370];
	v11 =	vmul.f32 $3.333333430e-01, v11;
	v10 =	vadd.f32 v13, v10  }
0xe8: {  	v12 =	vld [tilespmem:s9+$0x6370];
	v9 =	vmul.f32 $3.333333430e-01, v9;
	v4 =	vadd.f32 v8, v4  }
0xe9: {  	v13 =	vld [tilespmem:s9+$0x2300];
	[tilespmem:s15+$0xE300] =	vst v11;
	v44 =	vmul.f32 $3.333333430e-01, v10;
	v3 =	vadd.f32 v7, v3  }
0xea: {  	v11 =	vld [tilespmem:s9+$0xA370];
	[tilespmem:s15+$0xE310] =	vst v9;
	v4 =	vmul.f32 $3.333333430e-01, v4;
	v2 =	vadd.f32 v6, v2  }
0xeb: {  	v9 =	vld [tilespmem:s9+$0x6300];
	[tilespmem:s15+$0xE320] =	vst v44;
	v3 =	vmul.f32 $3.333333430e-01, v3;
	v0 =	vadd.f32 v5, v0  }
0xec: {  	v45 =	vld [tilespmem:s9+$0x2310];
	[tilespmem:s15+$0xE330] =	vst v4;
	v2 =	vmul.f32 $3.333333430e-01, v2  }
0xed: {  	v4 =	vld [tilespmem:s9+$0x6310];
	[tilespmem:s15+$0xE340] =	vst v3;
	v0 =	vmul.f32 $3.333333430e-01, v0  }
0xee: {  	v3 =	vld [tilespmem:s9+$0x2320];
	[tilespmem:s15+$0xE350] =	vst v2  }
0xef: {  	v2 =	vld [tilespmem:s9+$0x6320];
	[tilespmem:s15+$0xE360] =	vst v0  }
0xf0: {  	v47 =	vld [tilespmem:s9+$0x2330]  }
0xf1: {  	v48 =	vld [tilespmem:s9+$0x6330]  }
0xf2: {  	v49 =	vld [tilespmem:s9+$0x2340]  }
0xf3: {  	v8 =	vld [tilespmem:s9+$0x6340]  }
0xf4: {  	v50 =	vld [tilespmem:s9+$0x2350]  }
0xf5: {  	v51 =	vld [tilespmem:s9+$0x6350]  }
0xf6: {  	v52 =	vld [tilespmem:s9+$0x2360]  }
0xf7: {  	v53 =	vld [tilespmem:s9+$0x6360]  }
0xf8: {  	v14 =	vld [tilespmem:s9+$0xA300]  }
0xf9: {  	v15 =	vld [tilespmem:s9+$0xA310]  }
0xfa: {  	v1 =	vadd.f32 v12, v1;
	v16 =	vld [tilespmem:s9+$0xA320]  }
0xfb: {  	v9 =	vadd.f32 v9, v13;
	v54 =	vld [tilespmem:s9+$0xA330]  }
0xfc: {  	v46 =	vadd.f32 v11, v1;
	v55 =	vld [tilespmem:s9+$0xA340];
	v4 =	vadd.f32 v4, v45  }
0xfd: {  	v57 =	vld [tilespmem:s9+$0xA350];
	v2 =	vadd.f32 v2, v3;
	v56 =	vadd.f32 v14, v9  }
0xfe: {  	v58 =	vld [tilespmem:s9+$0xA360];
	v0 =	vmul.f32 $3.333333430e-01, v46;
	v1 =	vadd.f32 v48, v47;
	v4 =	vadd.f32 v15, v4  }
0xff: {  	v6 =	vadd.f32 v8, v49;
	v2 =	vadd.f32 v16, v2;
	v3 =	vmul.f32 $3.333333430e-01, v56  }
0x100: {  	[tilespmem:s9+$0xE370] =	vst v0;
	v0 =	vadd.f32 v51, v50;
	v4 =	vmul.f32 $3.333333430e-01, v4;
	v1 =	vadd.f32 v54, v1  }
0x101: {  	v59 =	vadd.f32 v53, v52;
	v60 =	vadd.f32 v55, v6;
	v2 =	vmul.f32 $3.333333430e-01, v2;
	[tilespmem:s9+$0xE300] =	vst v3  }
0x102: {  	v0 =	vadd.f32 v57, v0;
	[tilespmem:s9+$0xE310] =	vst v4;
	v1 =	vmul.f32 $3.333333430e-01, v1  }
0x103: {  	v62 =	vadd.f32 v58, v59;
	v61 =	vmul.f32 $3.333333430e-01, v60;
	[tilespmem:s9+$0xE320] =	vst v2  }
0x104: {  	v0 =	vmul.f32 $3.333333430e-01, v0;
	[tilespmem:s9+$0xE330] =	vst v1  }
0x105: {  	v63 =	vmul.f32 $3.333333430e-01, v62;
	[tilespmem:s9+$0xE340] =	vst v61  }
0x106: {  	[tilespmem:s9+$0xE350] =	vst v0  }
0x107: {  	[tilespmem:s9+$0xE360] =	vst v63;
	s9 =	simm.s32 @!p0 $0x4  }
0x108: {  	_ =	swait.ge @!p0 [sflag:s9], $0x2000  }
0x109: {  	s19 =	sadd.s32 $0x1, s19;
	[sflag:s9] =	ssyncset.done @!p0 $0x0  }
0x10a: {  	[sflag:s9] =	ssyncadd.s32 @!p0 $0xFFFFE000;
	p0 =	sne.s32 s19, $0x31  }
.Ltmp2:
0x10b: {  	_ = 	snop;
	(pc) =	sbr.rel @p0 .LBB2_2-.Ltmp2, $4  }
0x10c: {  	s10 =	sshll.u32 s20, $0xA  }
0x10d: {  	s10 =	sand.u32 $0x1FFFFC00, s10  }
0x10e: {  	s20 =	sadd.s32 s3, s10  }
0x10f: {  	[hbm4b:s20+s4] =	stream.linear.scatter [tilespmem:s31], [sflag:$0x4], $0x2000, $0x38;
	[tilespmem:$0x10300] =	vst v63  }
0x110: {  	s18 =	sadd.s32 $0x1, s18  }
0x111: {  	_ =	swait.ge [sflag:s2], $0x2000;
	p0 =	sne.s32 s18, s13  }
.Ltmp3:
0x112: {  	[sflag:s2] =	ssyncset.done $0x0;
	(pc) =	sbr.rel @p0 .LBB2_1-.Ltmp3, $4  }
0x113: {  	[sflag:s2] =	ssyncadd.s32 $0xFFFFE000  }
0x114: {  	_ =	swait.ge [sflag:s0], $0x2000  }
0x115: {  	[sflag:s0] =	ssyncset.done $0x0  }
0x116: {  	[sflag:s0] =	ssyncadd.s32 $0xFFFFE000  }
0x117: {  	_ =	sfence.sel $0x180000  }
0x118: {  	[bflag:$0x0] =	sbarrier.arrive $0xFFFF  }
0x119: {  	_ =	strace $0x90000047  }
0x11a: {  	s0 =	stileid.u32;
	[bflag:$0x2] =	sbarrier.arrive $0xFFFF  }
0x11b: {  	p0 =	sne.s32 s0, $0x0;
	s0 =	rddreg [dreg:$0x3]  }
0x11c: {  	s0 =	sadd.s32 @!p0 $0x100000, s0  }
0x11d: {  	[sflag:s0] =	ssyncadd.tile.s32 @!p0 $0x1;
	_ =	shalt  }
.Lfunc_end2:
_tile_overlayer_lowered:
.L_overlay_start_2:
0x11e: {  	(tag) =	ssettag $0x2  }
0x11f: {  	s0 =	rddreg [dreg:$0x0];
	s2 =	stileid.u32  }
0x120: {  	s1 =	rddreg [dreg:$0x1];
	p0 =	sne.s32 s2, $0x0  }
0x121: {  	s3 =	rddreg [dreg:$0x2];
	[bflag:$0x3] =	sbarrier.arrive $0xFFFF;
	s2 =	simm.s32 @!p0 $0x1C05  }
0x122: {  	[timem:s3], [sflag:s2] =	dma.local @!p0 [hbm:s0], s1  }
0x123: {  	s0 =	simm.s32 @!p0 $0x5  }
0x124: {  	_ =	swait.ge @!p0 [sflag:s0], s1  }
0x125: {  	s1 =	ssub.s32 @!p0 $0x0, s1;
	[sflag:s0] =	ssyncset.done @!p0 $0x0  }
0x126: {  	[sflag:s0] =	ssyncadd.s32 @!p0 s1  }
0x127: {  	[bflag:$0x3] =	sbarrier.arrive $0xFFFF  }
0x128: {  	_ =	shalt  }

</sc_bundles>
